<compile_context>
chip_gen: v7x
topology: tpu7x:2x2x1
jax: 0.10.2.dev20260603
libtpu: 0.0.44.dev20260713+nightly
codegen_flags: <defaults>
</compile_context>

<pallas_src>
import functools

import jax
import jax.numpy as jnp
from jax import lax
from jax.experimental import pallas as pl
from jax.experimental.pallas import tpu as pltpu
from jax.experimental.pallas import tpu_sc as plsc

B, N, K = 2, 10000, 16
D_IN, D_OUT = 128, 128
D2 = D_OUT // 2
TW = 128
TN = 400
NT = N // TN
TNK = TN * K
ROWS = B * N * K

NC, NS = 2, 16
NW = NC * NS
RW = ROWS // NW
CH = 80
NCH = RW // CH


def _sc_gather_body(tab_hbm, nidx_hbm, out_hbm, idx_v, rows0, rows1,
                    gsem0, gsem1, wsem0, wsem1):
    wid = lax.axis_index("s") * NC + lax.axis_index("c")
    base = wid * RW
    boff = (wid // (NW // B)) * N

    pltpu.sync_copy(nidx_hbm.at[pl.ds(base, RW)], idx_v)

    def addoff(i, carry):
        idx_v[pl.ds(i * 16, 16)] = idx_v[pl.ds(i * 16, 16)] + boff
        return carry

    lax.fori_loop(0, RW // 16, addoff, 0)

    bufs = ((rows0, gsem0, wsem0), (rows1, gsem1, wsem1))

    def do_chunk(j, rows_v, gsem, wsem):
        @pl.when(j >= 2)
        def _():
            pltpu.make_async_copy(rows_v, out_hbm.at[pl.ds(base, CH)],
                                  wsem).wait()
        gcp = pltpu.make_async_copy(tab_hbm.at[idx_v.at[pl.ds(j * CH, CH)]],
                                    rows_v, gsem)
        gcp.start()
        gcp.wait()
        pltpu.make_async_copy(rows_v, out_hbm.at[pl.ds(base + j * CH, CH)],
                              wsem).start()

    def pair(i2, carry):
        for b2 in range(2):
            rows_v, gsem, wsem = bufs[b2]
            do_chunk(2 * i2 + b2, rows_v, gsem, wsem)
        return carry

    lax.fori_loop(0, NCH // 2, pair, 0)
    if NCH % 2:
        do_chunk(NCH - 1, *bufs[0])
        pltpu.make_async_copy(rows1, out_hbm.at[pl.ds(base, CH)], wsem1).wait()
        pltpu.make_async_copy(rows0, out_hbm.at[pl.ds(base, CH)], wsem0).wait()
    else:
        pltpu.make_async_copy(rows0, out_hbm.at[pl.ds(base, CH)], wsem0).wait()
        pltpu.make_async_copy(rows1, out_hbm.at[pl.ds(base, CH)], wsem1).wait()


def _make_sc_gather():
    mesh = plsc.VectorSubcoreMesh(core_axis_name="c", subcore_axis_name="s")
    return pl.kernel(
        _sc_gather_body,
        out_type=jax.ShapeDtypeStruct((ROWS, TW), jnp.float32),
        mesh=mesh,
        scratch_types=[
            pltpu.VMEM((RW,), jnp.int32),
            pltpu.VMEM((CH, TW), jnp.float32),
            pltpu.VMEM((CH, TW), jnp.float32),
            pltpu.SemaphoreType.DMA,
            pltpu.SemaphoreType.DMA,
            pltpu.SemaphoreType.DMA,
            pltpu.SemaphoreType.DMA,
        ],
    )


def _stage_a_body(f_ref, xyz_ref, w1t_ref, g1_ref, b1_ref, out_ref):
    f = f_ref[0]
    pc1 = jnp.dot(f, w1t_ref[...], preferred_element_type=jnp.float32)
    pc1 = jnp.maximum(pc1 * g1_ref[...] + b1_ref[...], 0.0)
    out_ref[:, 0:64] = pc1
    out_ref[:, 64:67] = xyz_ref[0]


def _rel_pos_feat(nxyz, xyz_t, w0c_ref, wxt_ref, wn_ref, gb1_ref, bb1_ref):
    rel3 = xyz_t[:, None, :] - nxyz.reshape(TN, K, 3)
    rel = rel3.reshape(TNK, 3)
    relt = jnp.transpose(rel)
    dis2t = jnp.sum(relt * relt, axis=0, keepdims=True)
    dist = jnp.sqrt(jnp.maximum(dis2t, 1e-20))
    dis_t64 = jnp.dot(w0c_ref[...], dist,
                      preferred_element_type=jnp.float32)
    dis_term = jnp.transpose(dis_t64)
    xta = jnp.dot(xyz_t, wxt_ref[...], preferred_element_type=jnp.float32)
    pre3 = (dis_term
            + lax.dot_general(nxyz, wn_ref[...], (((1,), (0,)), ((), ())),
                              preferred_element_type=jnp.float32)
            ).reshape(TN, K, D2) + xta[:, None, :]
    pre = pre3.reshape(TNK, D2)
    return jnp.maximum(pre * gb1_ref[...] + bb1_ref[...], 0.0)


def _att_pool_rows(cat, wft_ref, wmt_ref, gm_ref, bm_ref):
    c = cat.shape[1]
    att = jnp.dot(cat, wft_ref[...], preferred_element_type=jnp.float32)
    e = jnp.exp(att.reshape(TN, K, c))
    num = jnp.sum(cat.reshape(TN, K, c) * e, axis=1)
    den = jnp.sum(e, axis=1)
    f = num / den
    agg = jnp.dot(f, wmt_ref[...], preferred_element_type=jnp.float32)
    return jnp.maximum(agg * gm_ref[...] + bm_ref[...], 0.0)


def _stage_c_body(g1_ref, xyz_ref, w0c_ref, wxt_ref, wn_ref, gb1_ref, bb1_ref,
                  wf1t_ref, wm1t_ref, gm1_ref, bm1_ref, out_ref):
    xyz_t = xyz_ref[0]
    f_xyz1 = _rel_pos_feat(g1_ref[:, 64:67], xyz_t, w0c_ref, wxt_ref, wn_ref,
                           gb1_ref, bb1_ref)
    cat = jnp.concatenate([g1_ref[:, 0:64], f_xyz1], axis=1)
    agg1 = _att_pool_rows(cat, wf1t_ref, wm1t_ref, gm1_ref, bm1_ref)
    out_ref[:, 0:64] = agg1
    out_ref[:, 64:67] = xyz_t


def _stage_e_body(g2_ref, xyz_ref, f_ref,
                  w0c_ref, wxt_ref, wn_ref, gb1_ref, bb1_ref,
                  wb2t_ref, gb2_ref, bb2_ref,
                  wf2t_ref, wm2t_ref, gm2_ref, bm2_ref,
                  w2t_ref, g2_ref2, b2_ref, wst_ref, gs_ref, bs_ref, out_ref):
    xyz_t = xyz_ref[0]
    f_xyz1 = _rel_pos_feat(g2_ref[:, 64:67], xyz_t, w0c_ref, wxt_ref, wn_ref,
                           gb1_ref, bb1_ref)
    f_xyz2 = jnp.dot(f_xyz1, wb2t_ref[...], preferred_element_type=jnp.float32)
    f_xyz2 = jnp.maximum(f_xyz2 * gb2_ref[...] + bb2_ref[...], 0.0)
    cat = jnp.concatenate([g2_ref[:, 0:64], f_xyz2], axis=1)
    agg2 = _att_pool_rows(cat, wf2t_ref, wm2t_ref, gm2_ref, bm2_ref)
    f_out = jnp.dot(agg2, w2t_ref[...], preferred_element_type=jnp.float32)
    f_out = f_out * g2_ref2[...] + b2_ref[...]
    ft = f_ref[0]
    sc = jnp.dot(ft, wst_ref[...], preferred_element_type=jnp.float32)
    sc = sc * gs_ref[...] + bs_ref[...]
    o = f_out + sc
    o = jnp.where(o >= 0, o, 0.2 * o)
    out_ref[...] = o.reshape(1, TN, 2 * D_OUT)


def _full_spec(shape):
    return pl.BlockSpec(shape, lambda b, t: tuple(0 for _ in shape))


def kernel(feature, xyz, neigh_idx, W1, g1, b1, Wb1, gb1, bb1, Wf1, Wm1, gm1,
           bm1, Wb2, gb2, bb2, Wf2, Wm2, gm2, bm2, W2, g2, b2, Ws, gs, bs):
    nidx_flat = neigh_idx.astype(jnp.int32).reshape(ROWS)
    featr = jnp.transpose(feature[..., 0], (0, 2, 1))
    row = lambda v: v.reshape(1, -1)
    w0c = Wb1[:, 0:1]
    wxt = (Wb1[:, 1:4] + Wb1[:, 4:7]).T
    wn = (Wb1[:, 7:10] - Wb1[:, 1:4]).T

    t1 = pl.pallas_call(
        _stage_a_body,
        grid=(B, NT),
        in_specs=[
            pl.BlockSpec((1, TN, D_IN), lambda b, t: (b, t, 0)),
            pl.BlockSpec((1, TN, 3), lambda b, t: (b, t, 0)),
            _full_spec((D_IN, D2)),
            _full_spec((1, D2)),
            _full_spec((1, D2)),
        ],
        out_specs=pl.BlockSpec((TN, TW), lambda b, t: (b * NT + t, 0)),
        out_shape=jax.ShapeDtypeStruct((B * N, TW), jnp.float32),
    )(featr, xyz, W1.T, row(g1), row(b1))

    sc_gather = _make_sc_gather()
    g1rows = sc_gather(t1, nidx_flat)

    t2 = pl.pallas_call(
        _stage_c_body,
        grid=(B, NT),
        in_specs=[
            pl.BlockSpec((TNK, TW), lambda b, t: (b * NT + t, 0)),
            pl.BlockSpec((1, TN, 3), lambda b, t: (b, t, 0)),
            _full_spec((D2, 1)),
            _full_spec((3, D2)),
            _full_spec((3, D2)),
            _full_spec((1, D2)),
            _full_spec((1, D2)),
            _full_spec((D_OUT, D_OUT)),
            _full_spec((D_OUT, D2)),
            _full_spec((1, D2)),
            _full_spec((1, D2)),
        ],
        out_specs=pl.BlockSpec((TN, TW), lambda b, t: (b * NT + t, 0)),
        out_shape=jax.ShapeDtypeStruct((B * N, TW), jnp.float32),
    )(g1rows, xyz, w0c, wxt, wn, row(gb1), row(bb1), Wf1.T, Wm1.T, row(gm1),
      row(bm1))

    g2rows = sc_gather(t2, nidx_flat)

    out = pl.pallas_call(
        _stage_e_body,
        grid=(B, NT),
        in_specs=[
            pl.BlockSpec((TNK, TW), lambda b, t: (b * NT + t, 0)),
            pl.BlockSpec((1, TN, 3), lambda b, t: (b, t, 0)),
            pl.BlockSpec((1, TN, D_IN), lambda b, t: (b, t, 0)),
            _full_spec((D2, 1)),
            _full_spec((3, D2)),
            _full_spec((3, D2)),
            _full_spec((1, D2)),
            _full_spec((1, D2)),
            _full_spec((D2, D2)),
            _full_spec((1, D2)),
            _full_spec((1, D2)),
            _full_spec((D_OUT, D_OUT)),
            _full_spec((D_OUT, D_OUT)),
            _full_spec((1, D_OUT)),
            _full_spec((1, D_OUT)),
            _full_spec((D_OUT, 2 * D_OUT)),
            _full_spec((1, 2 * D_OUT)),
            _full_spec((1, 2 * D_OUT)),
            _full_spec((D_IN, 2 * D_OUT)),
            _full_spec((1, 2 * D_OUT)),
            _full_spec((1, 2 * D_OUT)),
        ],
        out_specs=pl.BlockSpec((1, TN, 2 * D_OUT), lambda b, t: (b, t, 0)),
        out_shape=jax.ShapeDtypeStruct((B, N, 2 * D_OUT), jnp.float32),
    )(g2rows, xyz, featr, w0c, wxt, wn, row(gb1), row(bb1), Wb2.T, row(gb2),
      row(bb2), Wf2.T, Wm2.T, row(gm2), row(bm2), W2.T, row(g2), row(b2),
      Ws.T, row(gs), row(bs))
    return jnp.transpose(out, (0, 2, 1))[..., None]

# --- scband reference (transcript-rebuilt; emitter-appended) ---
"""Pipeline reference for scband-network-44968307589213 (READ-ONLY COPY).

The authoritative reference and input builder live on the scoring server;
editing this copy changes nothing except your own understanding.
"""

import jax, jax.numpy as jnp
import numpy as np

B, N, K = 2, 10000, 16
D_IN, D_OUT = 128, 128
D2 = D_OUT // 2


def _conv_bn(x, W, g, b, act=True):
    # pt_utils.Conv2d with 1x1 kernel + eval-mode BatchNorm (+ ReLU by default)
    y = jnp.einsum('bcnk,oc->bonk', x, W)
    y = y * g[None, :, None, None] + b[None, :, None, None]
    return jax.nn.relu(y) if act else y


def _gather_neighbour(pc, idx):
    # pc: [B, N, d], idx: [B, N, K] -> [B, N, K, d]
    return jax.vmap(lambda p, i: p[i])(pc, idx)


def _att_pool(x, Wf, Wm, gm, bm):
    # Att_pooling: fc (1x1 conv, no bias) -> softmax over K -> weighted sum -> mlp
    att = jnp.einsum('bcnk,oc->bonk', x, Wf)
    s = jax.nn.softmax(att, axis=3)
    f = jnp.sum(x * s, axis=3, keepdims=True)
    return _conv_bn(f, Wm, gm, bm)


def _forward(feature, xyz, neigh_idx, W1, g1, b1, Wb1, gb1, bb1, Wf1, Wm1, gm1, bm1,
             Wb2, gb2, bb2, Wf2, Wm2, gm2, bm2, W2, g2, b2, Ws, gs, bs):
    # relative_pos_encoding
    neighbor_xyz = _gather_neighbour(xyz, neigh_idx)               # [B,N,K,3]
    xyz_tile = jnp.broadcast_to(xyz[:, :, None, :], neighbor_xyz.shape)
    rel = xyz_tile - neighbor_xyz
    dis = jnp.sqrt(jnp.maximum(jnp.sum(rel * rel, axis=-1, keepdims=True), 1e-20))
    f_xyz = jnp.transpose(jnp.concatenate([dis, rel, xyz_tile, neighbor_xyz], axis=-1), (0, 3, 1, 2))  # [B,10,N,K]
    # Dilated_res_block
    f_pc = _conv_bn(feature, W1, g1, b1)                           # [B,D2,N,1]
    # Building_block (LFA)
    f_xyz1 = _conv_bn(f_xyz, Wb1, gb1, bb1)                        # [B,D2,N,K]
    pc1 = jnp.transpose(f_pc[..., 0], (0, 2, 1))                   # [B,N,D2]
    f_neigh1 = jnp.transpose(_gather_neighbour(pc1, neigh_idx), (0, 3, 1, 2))  # [B,D2,N,K]
    f_agg1 = _att_pool(jnp.concatenate([f_neigh1, f_xyz1], axis=1), Wf1, Wm1, gm1, bm1)  # [B,D2,N,1]
    f_xyz2 = _conv_bn(f_xyz1, Wb2, gb2, bb2)                       # [B,D2,N,K]
    pc2 = jnp.transpose(f_agg1[..., 0], (0, 2, 1))
    f_neigh2 = jnp.transpose(_gather_neighbour(pc2, neigh_idx), (0, 3, 1, 2))
    f_agg2 = _att_pool(jnp.concatenate([f_neigh2, f_xyz2], axis=1), Wf2, Wm2, gm2, bm2)  # [B,D_OUT,N,1]
    f_out = _conv_bn(f_agg2, W2, g2, b2, act=False)                # [B,2*D_OUT,N,1]
    sc = _conv_bn(feature, Ws, gs, bs, act=False)
    return jax.nn.leaky_relu(f_out + sc, negative_slope=0.2)


def setup_inputs(seed: int = 0):
    key = jax.random.key(seed)
    ks = jax.random.split(key, 16)

    def rn(k, shape):
        return jax.random.normal(k, shape, dtype=jnp.float32) * 0.05

    return {
        'feature': jax.random.normal(ks[0], (B, D_IN, N, 1), dtype=jnp.float32),
        'xyz': jax.random.normal(ks[1], (B, N, 3), dtype=jnp.float32),
        'neigh_idx': jax.random.randint(ks[2], (B, N, K), 0, N),
        'W1': rn(ks[3], (D2, D_IN)), 'g1': jnp.ones(D2), 'b1': jnp.zeros(D2),
        'Wb1': rn(ks[4], (D2, 10)), 'gb1': jnp.ones(D2), 'bb1': jnp.zeros(D2),
        'Wf1': rn(ks[5], (D_OUT, D_OUT)),
        'Wm1': rn(ks[6], (D2, D_OUT)), 'gm1': jnp.ones(D2), 'bm1': jnp.zeros(D2),
        'Wb2': rn(ks[7], (D2, D2)), 'gb2': jnp.ones(D2), 'bb2': jnp.zeros(D2),
        'Wf2': rn(ks[8], (D_OUT, D_OUT)),
        'Wm2': rn(ks[9], (D_OUT, D_OUT)), 'gm2': jnp.ones(D_OUT), 'bm2': jnp.zeros(D_OUT),
        'W2': rn(ks[10], (2 * D_OUT, D_OUT)), 'g2': jnp.ones(2 * D_OUT), 'b2': jnp.zeros(2 * D_OUT),
        'Ws': rn(ks[11], (2 * D_OUT, D_IN)), 'gs': jnp.ones(2 * D_OUT), 'bs': jnp.zeros(2 * D_OUT),
    }


def reference(feature, xyz, neigh_idx, W1, g1, b1, Wb1, gb1, bb1, Wf1, Wm1, gm1, bm1,
              Wb2, gb2, bb2, Wf2, Wm2, gm2, bm2, W2, g2, b2, Ws, gs, bs):
    return _forward(feature, xyz, neigh_idx, W1, g1, b1, Wb1, gb1, bb1, Wf1, Wm1, gm1, bm1,
                    Wb2, gb2, bb2, Wf2, Wm2, gm2, bm2, W2, g2, b2, Ws, gs, bs)

if __name__ == "__main__":
    import jax
    _d = setup_inputs()
    print(jax.jit(kernel)(*tuple(_d.values())))

</pallas_src>

<mosaic_0001>
#map = affine_map<(d0, d1) -> (0, 0)>
#map1 = affine_map<(d0, d1) -> (0)>
module attributes {stable_mosaic.version = 14 : i64} {
  func.func @_sc_gather_body(%arg0: i32, %arg1: i32, %arg2: memref<20000x128xf32, #tpu.memory_space<hbm>>, %arg3: memref<320000xi32, #tpu.memory_space<hbm>>, %arg4: memref<320000x128xf32, #tpu.memory_space<hbm>>, %arg5: memref<10000xi32, #tpu.memory_space<vmem>>, %arg6: memref<80x128xf32, #tpu.memory_space<vmem>>, %arg7: memref<80x128xf32, #tpu.memory_space<vmem>>, %arg8: memref<!tpu.dma_semaphore, #tpu.memory_space<semaphore_mem>>, %arg9: memref<!tpu.dma_semaphore, #tpu.memory_space<semaphore_mem>>, %arg10: memref<!tpu.dma_semaphore, #tpu.memory_space<semaphore_mem>>, %arg11: memref<!tpu.dma_semaphore, #tpu.memory_space<semaphore_mem>>) attributes {dimension_semantics = [#tpu.dimension_semantics<core_parallel>, #tpu.dimension_semantics<subcore_parallel>], iteration_bounds = array<i64: 2, 16>, scalar_prefetch = 0 : i64, scratch_operands = 7 : i64, tpu.core_type = #tpu.core_type<sc_vector_subcore>, window_params = [{transform_indices = #map}, {transform_indices = #map1}, {transform_indices = #map}]} {
    %mul3A = arith.constant 2 : i32
    %mul3A_0 = arith.muli %arg1, %mul3A : i32
    %add3A = arith.addi %mul3A_0, %arg0 : i32
    %mul3A_1 = arith.constant 10000 : i32
    %mul3A_2 = arith.muli %add3A, %mul3A_1 : i32
    %jit3A = arith.constant 16 : i32
    %div3A = arith.divsi %add3A, %jit3A : i32
    %sign3A = arith.constant 0 : i32
    %sign3A_3 = arith.cmpi sgt, %add3A, %sign3A : i32
    %sign3A_4 = arith.extui %sign3A_3 : i1 to i32
    %sign3A_5 = arith.constant 0 : i32
    %sign3A_6 = arith.cmpi slt, %add3A, %sign3A_5 : i32
    %sign3A_7 = arith.extui %sign3A_6 : i1 to i32
    %sign3A_8 = arith.subi %sign3A_4, %sign3A_7 : i32
    %sign3A_9 = arith.constant 0 : i32
    %sign3A_10 = arith.cmpi sgt, %jit3A, %sign3A_9 : i32
    %sign3A_11 = arith.extui %sign3A_10 : i1 to i32
    %sign3A_12 = arith.constant 0 : i32
    %sign3A_13 = arith.cmpi slt, %jit3A, %sign3A_12 : i32
    %sign3A_14 = arith.extui %sign3A_13 : i1 to i32
    %sign3A_15 = arith.subi %sign3A_11, %sign3A_14 : i32
    %ne3A = arith.cmpi ne, %sign3A_8, %sign3A_15 : i32
    %rem3A = arith.remsi %add3A, %jit3A : i32
    %ne3A_16 = arith.constant 0 : i32
    %ne3A_17 = arith.cmpi ne, %rem3A, %ne3A_16 : i32
    %and3A = arith.andi %ne3A, %ne3A_17 : i1
    %sub3A = arith.constant 1 : i32
    %sub3A_18 = arith.subi %div3A, %sub3A : i32
    %select_n3A = arith.select %and3A, %sub3A_18, %div3A : i32
    %mul3A_19 = arith.constant 10000 : i32
    %mul3A_20 = arith.muli %select_n3A, %mul3A_19 : i32
    "tpu.region"() ({
      %run_scoped3A = tpu.sem_alloc : memref<!tpu.dma_semaphore, #tpu.memory_space<semaphore_mem>>
      %dma_start3A_58 = tpu.memref_slice %arg3[%mul3A_2] : memref<320000xi32, #tpu.memory_space<hbm>> -> memref<10000xi32, #tpu.memory_space<hbm>>
      %dma_start3A_59 = tpu.memref_slice %arg3[%mul3A_2] : memref<320000xi32, #tpu.memory_space<hbm>> -> memref<10000xi32, #tpu.memory_space<hbm>>
      tpu.enqueue_dma source(%dma_start3A_59 : memref<10000xi32, #tpu.memory_space<hbm>>) target(%arg5 : memref<10000xi32, #tpu.memory_space<vmem>>) target_semaphore(%run_scoped3A : memref<!tpu.dma_semaphore, #tpu.memory_space<semaphore_mem>>)
      %dma_wait3A_60 = tpu.memref_slice %arg3[%mul3A_2] : memref<320000xi32, #tpu.memory_space<hbm>> -> memref<10000xi32, #tpu.memory_space<hbm>>
      %dma_wait3A_61 = tpu.memref_slice %arg3[%mul3A_2] : memref<320000xi32, #tpu.memory_space<hbm>> -> memref<10000xi32, #tpu.memory_space<hbm>>
      tpu.wait_dma2 semaphore(%run_scoped3A : memref<!tpu.dma_semaphore, #tpu.memory_space<semaphore_mem>>) src(%dma_wait3A_61 : memref<10000xi32, #tpu.memory_space<hbm>>) dst(%arg5 : memref<10000xi32, #tpu.memory_space<vmem>>)
      tpu.yield
    }) : () -> ()
    %scan3A = arith.constant 0 : i32
    %scan3A_21 = arith.constant 0 : i32
    %scan3A_22 = arith.constant 625 : i32
    %scan3A_23 = arith.addi %scan3A_21, %scan3A_22 : i32
    %scan3A_24 = arith.constant 1 : i32
    scf.for %scan3A_58 = %scan3A_21 to %scan3A_23 step %scan3A_24  : i32 {
      %mul3A_59 = arith.constant 16 : i32
      %mul3A_60 = arith.muli %scan3A_58, %mul3A_59 : i32
      %get3A = arith.index_cast %mul3A_60 : i32 to index
      %get3A_61 = tpu.vector_load %arg5[%get3A] {strides = array<i32>} : memref<10000xi32, #tpu.memory_space<vmem>>, vector<16xi32>,
      %get3A_62 = vector.shape_cast %get3A_61 : vector<16xi32> to vector<16xi32>
      %add3A_63 = vector.broadcast %mul3A_20 : i32 to vector<16xi32>
      %add3A_64 = arith.addi %get3A_62, %add3A_63 : vector<16xi32>
      %mul3A_65 = arith.constant 16 : i32
      %mul3A_66 = arith.muli %scan3A_58, %mul3A_65 : i32
      %swap3A = arith.index_cast %mul3A_66 : i32 to index
      %swap3A_67 = tpu.vector_load %arg5[%swap3A] {strides = array<i32>} : memref<10000xi32, #tpu.memory_space<vmem>>, vector<16xi32>,
      %swap3A_68 = vector.shape_cast %swap3A_67 : vector<16xi32> to vector<16xi32>
      %swap3A_69 = vector.shape_cast %add3A_64 : vector<16xi32> to vector<16xi32>
      tpu.vector_store %arg5[%swap3A], %swap3A_69 {strides = array<i32>} : memref<10000xi32, #tpu.memory_space<vmem>>, vector<16xi32>,
    }
    %scan3A_25 = arith.constant 625 : i32
    %scan3A_26 = arith.constant 0 : i32
    %scan3A_27 = arith.constant 0 : i32
    %scan3A_28 = arith.constant 62 : i32
    %scan3A_29 = arith.addi %scan3A_27, %scan3A_28 : i32
    %scan3A_30 = arith.constant 1 : i32
    scf.for %scan3A_58 = %scan3A_27 to %scan3A_29 step %scan3A_30  : i32 {
      %mul3A_59 = arith.constant 2 : i32
      %mul3A_60 = arith.muli %mul3A_59, %scan3A_58 : i32
      %add3A_61 = arith.constant 0 : i32
      %add3A_62 = arith.addi %mul3A_60, %add3A_61 : i32
      %ge3A = arith.constant 2 : i32
      %ge3A_63 = arith.cmpi sge, %add3A_62, %ge3A : i32
      %convert_element_type3A = arith.extui %ge3A_63 : i1 to i32
      %cond3A = arith.constant 0 : i32
      %cond3A_64 = arith.cmpi ne, %convert_element_type3A, %cond3A : i32
      scf.if %cond3A_64 {
        %dma_wait3A_108 = arith.constant 0 : i32
        %dma_wait3A_109 = tpu.memref_slice %arg4[%mul3A_2, %dma_wait3A_108] : memref<320000x128xf32, #tpu.memory_space<hbm>> -> memref<80x128xf32, #tpu.memory_space<hbm>>
        %dma_wait3A_110 = arith.constant 0 : i32
        %dma_wait3A_111 = tpu.memref_slice %arg4[%mul3A_2, %dma_wait3A_110] : memref<320000x128xf32, #tpu.memory_space<hbm>> -> memref<80x128xf32, #tpu.memory_space<hbm>>
        tpu.wait_dma2 semaphore(%arg10 : memref<!tpu.dma_semaphore, #tpu.memory_space<semaphore_mem>>) src(%arg6 : memref<80x128xf32, #tpu.memory_space<vmem>>) dst(%dma_wait3A_111 : memref<80x128xf32, #tpu.memory_space<hbm>>)
      } else {
      }
      %mul3A_65 = arith.constant 80 : i32
      %mul3A_66 = arith.muli %add3A_62, %mul3A_65 : i32
      %dma_start3A_67 = tpu.memref_slice %arg5[%mul3A_66] : memref<10000xi32, #tpu.memory_space<vmem>> -> memref<80xi32, #tpu.memory_space<vmem>>
      %dma_start3A_68 = arith.constant 0 : i32
      %dma_start3A_69 = arith.constant 0 : i32
      %dma_start3A_70 = tpu.memref_slice %arg2[%dma_start3A_68, %dma_start3A_69] : memref<20000x128xf32, #tpu.memory_space<hbm>> -> memref<20000x128xf32, #tpu.memory_space<hbm>>
      tpu.enqueue_indirect_dma source(%dma_start3A_70 : memref<20000x128xf32, #tpu.memory_space<hbm>>) target(%arg6 : memref<80x128xf32, #tpu.memory_space<vmem>>) offsets(%dma_start3A_67 : memref<80xi32, #tpu.memory_space<vmem>>) semaphore(%arg8 : memref<!tpu.dma_semaphore, #tpu.memory_space<semaphore_mem>>)
      %dma_wait3A_71 = tpu.memref_slice %arg5[%mul3A_66] : memref<10000xi32, #tpu.memory_space<vmem>> -> memref<80xi32, #tpu.memory_space<vmem>>
      %dma_wait3A_72 = arith.constant 0 : i32
      %dma_wait3A_73 = arith.constant 0 : i32
      %dma_wait3A_74 = tpu.memref_slice %arg2[%dma_wait3A_72, %dma_wait3A_73] : memref<20000x128xf32, #tpu.memory_space<hbm>> -> memref<20000x128xf32, #tpu.memory_space<hbm>>
      tpu.wait_indirect_dma semaphore(%arg8 : memref<!tpu.dma_semaphore, #tpu.memory_space<semaphore_mem>>) src(%dma_wait3A_74 : memref<20000x128xf32, #tpu.memory_space<hbm>>) dst(%arg6 : memref<80x128xf32, #tpu.memory_space<vmem>>)
      %mul3A_75 = arith.constant 80 : i32
      %mul3A_76 = arith.muli %add3A_62, %mul3A_75 : i32
      %add3A_77 = arith.addi %mul3A_2, %mul3A_76 : i32
      %dma_start3A_78 = arith.constant 0 : i32
      %dma_start3A_79 = tpu.memref_slice %arg4[%add3A_77, %dma_start3A_78] : memref<320000x128xf32, #tpu.memory_space<hbm>> -> memref<80x128xf32, #tpu.memory_space<hbm>>
      %dma_start3A_80 = arith.constant 0 : i32
      %dma_start3A_81 = tpu.memref_slice %arg4[%add3A_77, %dma_start3A_80] : memref<320000x128xf32, #tpu.memory_space<hbm>> -> memref<80x128xf32, #tpu.memory_space<hbm>>
      tpu.enqueue_dma source(%arg6 : memref<80x128xf32, #tpu.memory_space<vmem>>) target(%dma_start3A_81 : memref<80x128xf32, #tpu.memory_space<hbm>>) target_semaphore(%arg10 : memref<!tpu.dma_semaphore, #tpu.memory_space<semaphore_mem>>)
      %mul3A_82 = arith.constant 2 : i32
      %mul3A_83 = arith.muli %mul3A_82, %scan3A_58 : i32
      %add3A_84 = arith.constant 1 : i32
      %add3A_85 = arith.addi %mul3A_83, %add3A_84 : i32
      %ge3A_86 = arith.constant 2 : i32
      %ge3A_87 = arith.cmpi sge, %add3A_85, %ge3A_86 : i32
      %convert_element_type3A_88 = arith.extui %ge3A_87 : i1 to i32
      %cond3A_89 = arith.constant 0 : i32
      %cond3A_90 = arith.cmpi ne, %convert_element_type3A_88, %cond3A_89 : i32
      scf.if %cond3A_90 {
        %dma_wait3A_108 = arith.constant 0 : i32
        %dma_wait3A_109 = tpu.memref_slice %arg4[%mul3A_2, %dma_wait3A_108] : memref<320000x128xf32, #tpu.memory_space<hbm>> -> memref<80x128xf32, #tpu.memory_space<hbm>>
        %dma_wait3A_110 = arith.constant 0 : i32
        %dma_wait3A_111 = tpu.memref_slice %arg4[%mul3A_2, %dma_wait3A_110] : memref<320000x128xf32, #tpu.memory_space<hbm>> -> memref<80x128xf32, #tpu.memory_space<hbm>>
        tpu.wait_dma2 semaphore(%arg11 : memref<!tpu.dma_semaphore, #tpu.memory_space<semaphore_mem>>) src(%arg7 : memref<80x128xf32, #tpu.memory_space<vmem>>) dst(%dma_wait3A_111 : memref<80x128xf32, #tpu.memory_space<hbm>>)
      } else {
      }
      %mul3A_91 = arith.constant 80 : i32
      %mul3A_92 = arith.muli %add3A_85, %mul3A_91 : i32
      %dma_start3A_93 = tpu.memref_slice %arg5[%mul3A_92] : memref<10000xi32, #tpu.memory_space<vmem>> -> memref<80xi32, #tpu.memory_space<vmem>>
      %dma_start3A_94 = arith.constant 0 : i32
      %dma_start3A_95 = arith.constant 0 : i32
      %dma_start3A_96 = tpu.memref_slice %arg2[%dma_start3A_94, %dma_start3A_95] : memref<20000x128xf32, #tpu.memory_space<hbm>> -> memref<20000x128xf32, #tpu.memory_space<hbm>>
      tpu.enqueue_indirect_dma source(%dma_start3A_96 : memref<20000x128xf32, #tpu.memory_space<hbm>>) target(%arg7 : memref<80x128xf32, #tpu.memory_space<vmem>>) offsets(%dma_start3A_93 : memref<80xi32, #tpu.memory_space<vmem>>) semaphore(%arg9 : memref<!tpu.dma_semaphore, #tpu.memory_space<semaphore_mem>>)
      %dma_wait3A_97 = tpu.memref_slice %arg5[%mul3A_92] : memref<10000xi32, #tpu.memory_space<vmem>> -> memref<80xi32, #tpu.memory_space<vmem>>
      %dma_wait3A_98 = arith.constant 0 : i32
      %dma_wait3A_99 = arith.constant 0 : i32
      %dma_wait3A_100 = tpu.memref_slice %arg2[%dma_wait3A_98, %dma_wait3A_99] : memref<20000x128xf32, #tpu.memory_space<hbm>> -> memref<20000x128xf32, #tpu.memory_space<hbm>>
      tpu.wait_indirect_dma semaphore(%arg9 : memref<!tpu.dma_semaphore, #tpu.memory_space<semaphore_mem>>) src(%dma_wait3A_100 : memref<20000x128xf32, #tpu.memory_space<hbm>>) dst(%arg7 : memref<80x128xf32, #tpu.memory_space<vmem>>)
      %mul3A_101 = arith.constant 80 : i32
      %mul3A_102 = arith.muli %add3A_85, %mul3A_101 : i32
      %add3A_103 = arith.addi %mul3A_2, %mul3A_102 : i32
      %dma_start3A_104 = arith.constant 0 : i32
      %dma_start3A_105 = tpu.memref_slice %arg4[%add3A_103, %dma_start3A_104] : memref<320000x128xf32, #tpu.memory_space<hbm>> -> memref<80x128xf32, #tpu.memory_space<hbm>>
      %dma_start3A_106 = arith.constant 0 : i32
      %dma_start3A_107 = tpu.memref_slice %arg4[%add3A_103, %dma_start3A_106] : memref<320000x128xf32, #tpu.memory_space<hbm>> -> memref<80x128xf32, #tpu.memory_space<hbm>>
      tpu.enqueue_dma source(%arg7 : memref<80x128xf32, #tpu.memory_space<vmem>>) target(%dma_start3A_107 : memref<80x128xf32, #tpu.memory_space<hbm>>) target_semaphore(%arg11 : memref<!tpu.dma_semaphore, #tpu.memory_space<semaphore_mem>>)
    }
    %scan3A_31 = arith.constant 62 : i32
    %dma_wait3A = arith.constant 0 : i32
    %dma_wait3A_32 = tpu.memref_slice %arg4[%mul3A_2, %dma_wait3A] : memref<320000x128xf32, #tpu.memory_space<hbm>> -> memref<80x128xf32, #tpu.memory_space<hbm>>
    %dma_wait3A_33 = arith.constant 0 : i32
    %dma_wait3A_34 = tpu.memref_slice %arg4[%mul3A_2, %dma_wait3A_33] : memref<320000x128xf32, #tpu.memory_space<hbm>> -> memref<80x128xf32, #tpu.memory_space<hbm>>
    tpu.wait_dma2 semaphore(%arg10 : memref<!tpu.dma_semaphore, #tpu.memory_space<semaphore_mem>>) src(%arg6 : memref<80x128xf32, #tpu.memory_space<vmem>>) dst(%dma_wait3A_34 : memref<80x128xf32, #tpu.memory_space<hbm>>)
    %dma_start3A = arith.constant 9920 : i32
    %dma_start3A_35 = tpu.memref_slice %arg5[%dma_start3A] : memref<10000xi32, #tpu.memory_space<vmem>> -> memref<80xi32, #tpu.memory_space<vmem>>
    %dma_start3A_36 = arith.constant 0 : i32
    %dma_start3A_37 = arith.constant 0 : i32
    %dma_start3A_38 = tpu.memref_slice %arg2[%dma_start3A_36, %dma_start3A_37] : memref<20000x128xf32, #tpu.memory_space<hbm>> -> memref<20000x128xf32, #tpu.memory_space<hbm>>
    tpu.enqueue_indirect_dma source(%dma_start3A_38 : memref<20000x128xf32, #tpu.memory_space<hbm>>) target(%arg6 : memref<80x128xf32, #tpu.memory_space<vmem>>) offsets(%dma_start3A_35 : memref<80xi32, #tpu.memory_space<vmem>>) semaphore(%arg8 : memref<!tpu.dma_semaphore, #tpu.memory_space<semaphore_mem>>)
    %dma_wait3A_39 = arith.constant 9920 : i32
    %dma_wait3A_40 = tpu.memref_slice %arg5[%dma_wait3A_39] : memref<10000xi32, #tpu.memory_space<vmem>> -> memref<80xi32, #tpu.memory_space<vmem>>
    %dma_wait3A_41 = arith.constant 0 : i32
    %dma_wait3A_42 = arith.constant 0 : i32
    %dma_wait3A_43 = tpu.memref_slice %arg2[%dma_wait3A_41, %dma_wait3A_42] : memref<20000x128xf32, #tpu.memory_space<hbm>> -> memref<20000x128xf32, #tpu.memory_space<hbm>>
    tpu.wait_indirect_dma semaphore(%arg8 : memref<!tpu.dma_semaphore, #tpu.memory_space<semaphore_mem>>) src(%dma_wait3A_43 : memref<20000x128xf32, #tpu.memory_space<hbm>>) dst(%arg6 : memref<80x128xf32, #tpu.memory_space<vmem>>)
    %add3A_44 = arith.constant 9920 : i32
    %add3A_45 = arith.addi %mul3A_2, %add3A_44 : i32
    %dma_start3A_46 = arith.constant 0 : i32
    %dma_start3A_47 = tpu.memref_slice %arg4[%add3A_45, %dma_start3A_46] : memref<320000x128xf32, #tpu.memory_space<hbm>> -> memref<80x128xf32, #tpu.memory_space<hbm>>
    %dma_start3A_48 = arith.constant 0 : i32
    %dma_start3A_49 = tpu.memref_slice %arg4[%add3A_45, %dma_start3A_48] : memref<320000x128xf32, #tpu.memory_space<hbm>> -> memref<80x128xf32, #tpu.memory_space<hbm>>
    tpu.enqueue_dma source(%arg6 : memref<80x128xf32, #tpu.memory_space<vmem>>) target(%dma_start3A_49 : memref<80x128xf32, #tpu.memory_space<hbm>>) target_semaphore(%arg10 : memref<!tpu.dma_semaphore, #tpu.memory_space<semaphore_mem>>)
    %dma_wait3A_50 = arith.constant 0 : i32
    %dma_wait3A_51 = tpu.memref_slice %arg4[%mul3A_2, %dma_wait3A_50] : memref<320000x128xf32, #tpu.memory_space<hbm>> -> memref<80x128xf32, #tpu.memory_space<hbm>>
    %dma_wait3A_52 = arith.constant 0 : i32
    %dma_wait3A_53 = tpu.memref_slice %arg4[%mul3A_2, %dma_wait3A_52] : memref<320000x128xf32, #tpu.memory_space<hbm>> -> memref<80x128xf32, #tpu.memory_space<hbm>>
    tpu.wait_dma2 semaphore(%arg11 : memref<!tpu.dma_semaphore, #tpu.memory_space<semaphore_mem>>) src(%arg7 : memref<80x128xf32, #tpu.memory_space<vmem>>) dst(%dma_wait3A_53 : memref<80x128xf32, #tpu.memory_space<hbm>>)
    %dma_wait3A_54 = arith.constant 0 : i32
    %dma_wait3A_55 = tpu.memref_slice %arg4[%mul3A_2, %dma_wait3A_54] : memref<320000x128xf32, #tpu.memory_space<hbm>> -> memref<80x128xf32, #tpu.memory_space<hbm>>
    %dma_wait3A_56 = arith.constant 0 : i32
    %dma_wait3A_57 = tpu.memref_slice %arg4[%mul3A_2, %dma_wait3A_56] : memref<320000x128xf32, #tpu.memory_space<hbm>> -> memref<80x128xf32, #tpu.memory_space<hbm>>
    tpu.wait_dma2 semaphore(%arg10 : memref<!tpu.dma_semaphore, #tpu.memory_space<semaphore_mem>>) src(%arg6 : memref<80x128xf32, #tpu.memory_space<vmem>>) dst(%dma_wait3A_57 : memref<80x128xf32, #tpu.memory_space<hbm>>)
    return
  }
}

#map = affine_map<(d0, d1) -> (0, 0)>
#map1 = affine_map<(d0, d1) -> (0)>
module attributes {stable_mosaic.version = 14 : i64} {
  func.func @_sc_gather_body(%arg0: i32, %arg1: i32, %arg2: memref<20000x128xf32, #tpu.memory_space<hbm>>, %arg3: memref<320000xi32, #tpu.memory_space<hbm>>, %arg4: memref<320000x128xf32, #tpu.memory_space<hbm>>, %arg5: memref<10000xi32, #tpu.memory_space<vmem>>, %arg6: memref<80x128xf32, #tpu.memory_space<vmem>>, %arg7: memref<80x128xf32, #tpu.memory_space<vmem>>, %arg8: memref<!tpu.dma_semaphore, #tpu.memory_space<semaphore_mem>>, %arg9: memref<!tpu.dma_semaphore, #tpu.memory_space<semaphore_mem>>, %arg10: memref<!tpu.dma_semaphore, #tpu.memory_space<semaphore_mem>>, %arg11: memref<!tpu.dma_semaphore, #tpu.memory_space<semaphore_mem>>) attributes {dimension_semantics = [#tpu.dimension_semantics<core_parallel>, #tpu.dimension_semantics<subcore_parallel>], iteration_bounds = array<i64: 2, 16>, scalar_prefetch = 0 : i64, scratch_operands = 7 : i64, tpu.core_type = #tpu.core_type<sc_vector_subcore>, window_params = [{transform_indices = #map}, {transform_indices = #map1}, {transform_indices = #map}]} {
    %mul3A = arith.constant 2 : i32
    %mul3A_0 = arith.muli %arg1, %mul3A : i32
    %add3A = arith.addi %mul3A_0, %arg0 : i32
    %mul3A_1 = arith.constant 10000 : i32
    %mul3A_2 = arith.muli %add3A, %mul3A_1 : i32
    %jit3A = arith.constant 16 : i32
    %div3A = arith.divsi %add3A, %jit3A : i32
    %sign3A = arith.constant 0 : i32
    %sign3A_3 = arith.cmpi sgt, %add3A, %sign3A : i32
    %sign3A_4 = arith.extui %sign3A_3 : i1 to i32
    %sign3A_5 = arith.constant 0 : i32
    %sign3A_6 = arith.cmpi slt, %add3A, %sign3A_5 : i32
    %sign3A_7 = arith.extui %sign3A_6 : i1 to i32
    %sign3A_8 = arith.subi %sign3A_4, %sign3A_7 : i32
    %sign3A_9 = arith.constant 0 : i32
    %sign3A_10 = arith.cmpi sgt, %jit3A, %sign3A_9 : i32
    %sign3A_11 = arith.extui %sign3A_10 : i1 to i32
    %sign3A_12 = arith.constant 0 : i32
    %sign3A_13 = arith.cmpi slt, %jit3A, %sign3A_12 : i32
    %sign3A_14 = arith.extui %sign3A_13 : i1 to i32
    %sign3A_15 = arith.subi %sign3A_11, %sign3A_14 : i32
    %ne3A = arith.cmpi ne, %sign3A_8, %sign3A_15 : i32
    %rem3A = arith.remsi %add3A, %jit3A : i32
    %ne3A_16 = arith.constant 0 : i32
    %ne3A_17 = arith.cmpi ne, %rem3A, %ne3A_16 : i32
    %and3A = arith.andi %ne3A, %ne3A_17 : i1
    %sub3A = arith.constant 1 : i32
    %sub3A_18 = arith.subi %div3A, %sub3A : i32
    %select_n3A = arith.select %and3A, %sub3A_18, %div3A : i32
    %mul3A_19 = arith.constant 10000 : i32
    %mul3A_20 = arith.muli %select_n3A, %mul3A_19 : i32
    "tpu.region"() ({
      %run_scoped3A = tpu.sem_alloc : memref<!tpu.dma_semaphore, #tpu.memory_space<semaphore_mem>>
      %dma_start3A_58 = tpu.memref_slice %arg3[%mul3A_2] : memref<320000xi32, #tpu.memory_space<hbm>> -> memref<10000xi32, #tpu.memory_space<hbm>>
      %dma_start3A_59 = tpu.memref_slice %arg3[%mul3A_2] : memref<320000xi32, #tpu.memory_space<hbm>> -> memref<10000xi32, #tpu.memory_space<hbm>>
      tpu.enqueue_dma source(%dma_start3A_59 : memref<10000xi32, #tpu.memory_space<hbm>>) target(%arg5 : memref<10000xi32, #tpu.memory_space<vmem>>) target_semaphore(%run_scoped3A : memref<!tpu.dma_semaphore, #tpu.memory_space<semaphore_mem>>)
      %dma_wait3A_60 = tpu.memref_slice %arg3[%mul3A_2] : memref<320000xi32, #tpu.memory_space<hbm>> -> memref<10000xi32, #tpu.memory_space<hbm>>
      %dma_wait3A_61 = tpu.memref_slice %arg3[%mul3A_2] : memref<320000xi32, #tpu.memory_space<hbm>> -> memref<10000xi32, #tpu.memory_space<hbm>>
      tpu.wait_dma2 semaphore(%run_scoped3A : memref<!tpu.dma_semaphore, #tpu.memory_space<semaphore_mem>>) src(%dma_wait3A_61 : memref<10000xi32, #tpu.memory_space<hbm>>) dst(%arg5 : memref<10000xi32, #tpu.memory_space<vmem>>)
      tpu.yield
    }) : () -> ()
    %scan3A = arith.constant 0 : i32
    %scan3A_21 = arith.constant 0 : i32
    %scan3A_22 = arith.constant 625 : i32
    %scan3A_23 = arith.addi %scan3A_21, %scan3A_22 : i32
    %scan3A_24 = arith.constant 1 : i32
    scf.for %scan3A_58 = %scan3A_21 to %scan3A_23 step %scan3A_24  : i32 {
      %mul3A_59 = arith.constant 16 : i32
      %mul3A_60 = arith.muli %scan3A_58, %mul3A_59 : i32
      %get3A = arith.index_cast %mul3A_60 : i32 to index
      %get3A_61 = tpu.vector_load %arg5[%get3A] {strides = array<i32>} : memref<10000xi32, #tpu.memory_space<vmem>>, vector<16xi32>,
      %get3A_62 = vector.shape_cast %get3A_61 : vector<16xi32> to vector<16xi32>
      %add3A_63 = vector.broadcast %mul3A_20 : i32 to vector<16xi32>
      %add3A_64 = arith.addi %get3A_62, %add3A_63 : vector<16xi32>
      %mul3A_65 = arith.constant 16 : i32
      %mul3A_66 = arith.muli %scan3A_58, %mul3A_65 : i32
      %swap3A = arith.index_cast %mul3A_66 : i32 to index
      %swap3A_67 = tpu.vector_load %arg5[%swap3A] {strides = array<i32>} : memref<10000xi32, #tpu.memory_space<vmem>>, vector<16xi32>,
      %swap3A_68 = vector.shape_cast %swap3A_67 : vector<16xi32> to vector<16xi32>
      %swap3A_69 = vector.shape_cast %add3A_64 : vector<16xi32> to vector<16xi32>
      tpu.vector_store %arg5[%swap3A], %swap3A_69 {strides = array<i32>} : memref<10000xi32, #tpu.memory_space<vmem>>, vector<16xi32>,
    }
    %scan3A_25 = arith.constant 625 : i32
    %scan3A_26 = arith.constant 0 : i32
    %scan3A_27 = arith.constant 0 : i32
    %scan3A_28 = arith.constant 62 : i32
    %scan3A_29 = arith.addi %scan3A_27, %scan3A_28 : i32
    %scan3A_30 = arith.constant 1 : i32
    scf.for %scan3A_58 = %scan3A_27 to %scan3A_29 step %scan3A_30  : i32 {
      %mul3A_59 = arith.constant 2 : i32
      %mul3A_60 = arith.muli %mul3A_59, %scan3A_58 : i32
      %add3A_61 = arith.constant 0 : i32
      %add3A_62 = arith.addi %mul3A_60, %add3A_61 : i32
      %ge3A = arith.constant 2 : i32
      %ge3A_63 = arith.cmpi sge, %add3A_62, %ge3A : i32
      %convert_element_type3A = arith.extui %ge3A_63 : i1 to i32
      %cond3A = arith.constant 0 : i32
      %cond3A_64 = arith.cmpi ne, %convert_element_type3A, %cond3A : i32
      scf.if %cond3A_64 {
        %dma_wait3A_108 = arith.constant 0 : i32
        %dma_wait3A_109 = tpu.memref_slice %arg4[%mul3A_2, %dma_wait3A_108] : memref<320000x128xf32, #tpu.memory_space<hbm>> -> memref<80x128xf32, #tpu.memory_space<hbm>>
        %dma_wait3A_110 = arith.constant 0 : i32
        %dma_wait3A_111 = tpu.memref_slice %arg4[%mul3A_2, %dma_wait3A_110] : memref<320000x128xf32, #tpu.memory_space<hbm>> -> memref<80x128xf32, #tpu.memory_space<hbm>>
        tpu.wait_dma2 semaphore(%arg10 : memref<!tpu.dma_semaphore, #tpu.memory_space<semaphore_mem>>) src(%arg6 : memref<80x128xf32, #tpu.memory_space<vmem>>) dst(%dma_wait3A_111 : memref<80x128xf32, #tpu.memory_space<hbm>>)
      } else {
      }
      %mul3A_65 = arith.constant 80 : i32
      %mul3A_66 = arith.muli %add3A_62, %mul3A_65 : i32
      %dma_start3A_67 = tpu.memref_slice %arg5[%mul3A_66] : memref<10000xi32, #tpu.memory_space<vmem>> -> memref<80xi32, #tpu.memory_space<vmem>>
      %dma_start3A_68 = arith.constant 0 : i32
      %dma_start3A_69 = arith.constant 0 : i32
      %dma_start3A_70 = tpu.memref_slice %arg2[%dma_start3A_68, %dma_start3A_69] : memref<20000x128xf32, #tpu.memory_space<hbm>> -> memref<20000x128xf32, #tpu.memory_space<hbm>>
      tpu.enqueue_indirect_dma source(%dma_start3A_70 : memref<20000x128xf32, #tpu.memory_space<hbm>>) target(%arg6 : memref<80x128xf32, #tpu.memory_space<vmem>>) offsets(%dma_start3A_67 : memref<80xi32, #tpu.memory_space<vmem>>) semaphore(%arg8 : memref<!tpu.dma_semaphore, #tpu.memory_space<semaphore_mem>>)
      %dma_wait3A_71 = tpu.memref_slice %arg5[%mul3A_66] : memref<10000xi32, #tpu.memory_space<vmem>> -> memref<80xi32, #tpu.memory_space<vmem>>
      %dma_wait3A_72 = arith.constant 0 : i32
      %dma_wait3A_73 = arith.constant 0 : i32
      %dma_wait3A_74 = tpu.memref_slice %arg2[%dma_wait3A_72, %dma_wait3A_73] : memref<20000x128xf32, #tpu.memory_space<hbm>> -> memref<20000x128xf32, #tpu.memory_space<hbm>>
      tpu.wait_indirect_dma semaphore(%arg8 : memref<!tpu.dma_semaphore, #tpu.memory_space<semaphore_mem>>) src(%dma_wait3A_74 : memref<20000x128xf32, #tpu.memory_space<hbm>>) dst(%arg6 : memref<80x128xf32, #tpu.memory_space<vmem>>)
      %mul3A_75 = arith.constant 80 : i32
      %mul3A_76 = arith.muli %add3A_62, %mul3A_75 : i32
      %add3A_77 = arith.addi %mul3A_2, %mul3A_76 : i32
      %dma_start3A_78 = arith.constant 0 : i32
      %dma_start3A_79 = tpu.memref_slice %arg4[%add3A_77, %dma_start3A_78] : memref<320000x128xf32, #tpu.memory_space<hbm>> -> memref<80x128xf32, #tpu.memory_space<hbm>>
      %dma_start3A_80 = arith.constant 0 : i32
      %dma_start3A_81 = tpu.memref_slice %arg4[%add3A_77, %dma_start3A_80] : memref<320000x128xf32, #tpu.memory_space<hbm>> -> memref<80x128xf32, #tpu.memory_space<hbm>>
      tpu.enqueue_dma source(%arg6 : memref<80x128xf32, #tpu.memory_space<vmem>>) target(%dma_start3A_81 : memref<80x128xf32, #tpu.memory_space<hbm>>) target_semaphore(%arg10 : memref<!tpu.dma_semaphore, #tpu.memory_space<semaphore_mem>>)
      %mul3A_82 = arith.constant 2 : i32
      %mul3A_83 = arith.muli %mul3A_82, %scan3A_58 : i32
      %add3A_84 = arith.constant 1 : i32
      %add3A_85 = arith.addi %mul3A_83, %add3A_84 : i32
      %ge3A_86 = arith.constant 2 : i32
      %ge3A_87 = arith.cmpi sge, %add3A_85, %ge3A_86 : i32
      %convert_element_type3A_88 = arith.extui %ge3A_87 : i1 to i32
      %cond3A_89 = arith.constant 0 : i32
      %cond3A_90 = arith.cmpi ne, %convert_element_type3A_88, %cond3A_89 : i32
      scf.if %cond3A_90 {
        %dma_wait3A_108 = arith.constant 0 : i32
        %dma_wait3A_109 = tpu.memref_slice %arg4[%mul3A_2, %dma_wait3A_108] : memref<320000x128xf32, #tpu.memory_space<hbm>> -> memref<80x128xf32, #tpu.memory_space<hbm>>
        %dma_wait3A_110 = arith.constant 0 : i32
        %dma_wait3A_111 = tpu.memref_slice %arg4[%mul3A_2, %dma_wait3A_110] : memref<320000x128xf32, #tpu.memory_space<hbm>> -> memref<80x128xf32, #tpu.memory_space<hbm>>
        tpu.wait_dma2 semaphore(%arg11 : memref<!tpu.dma_semaphore, #tpu.memory_space<semaphore_mem>>) src(%arg7 : memref<80x128xf32, #tpu.memory_space<vmem>>) dst(%dma_wait3A_111 : memref<80x128xf32, #tpu.memory_space<hbm>>)
      } else {
      }
      %mul3A_91 = arith.constant 80 : i32
      %mul3A_92 = arith.muli %add3A_85, %mul3A_91 : i32
      %dma_start3A_93 = tpu.memref_slice %arg5[%mul3A_92] : memref<10000xi32, #tpu.memory_space<vmem>> -> memref<80xi32, #tpu.memory_space<vmem>>
      %dma_start3A_94 = arith.constant 0 : i32
      %dma_start3A_95 = arith.constant 0 : i32
      %dma_start3A_96 = tpu.memref_slice %arg2[%dma_start3A_94, %dma_start3A_95] : memref<20000x128xf32, #tpu.memory_space<hbm>> -> memref<20000x128xf32, #tpu.memory_space<hbm>>
      tpu.enqueue_indirect_dma source(%dma_start3A_96 : memref<20000x128xf32, #tpu.memory_space<hbm>>) target(%arg7 : memref<80x128xf32, #tpu.memory_space<vmem>>) offsets(%dma_start3A_93 : memref<80xi32, #tpu.memory_space<vmem>>) semaphore(%arg9 : memref<!tpu.dma_semaphore, #tpu.memory_space<semaphore_mem>>)
      %dma_wait3A_97 = tpu.memref_slice %arg5[%mul3A_92] : memref<10000xi32, #tpu.memory_space<vmem>> -> memref<80xi32, #tpu.memory_space<vmem>>
      %dma_wait3A_98 = arith.constant 0 : i32
      %dma_wait3A_99 = arith.constant 0 : i32
      %dma_wait3A_100 = tpu.memref_slice %arg2[%dma_wait3A_98, %dma_wait3A_99] : memref<20000x128xf32, #tpu.memory_space<hbm>> -> memref<20000x128xf32, #tpu.memory_space<hbm>>
      tpu.wait_indirect_dma semaphore(%arg9 : memref<!tpu.dma_semaphore, #tpu.memory_space<semaphore_mem>>) src(%dma_wait3A_100 : memref<20000x128xf32, #tpu.memory_space<hbm>>) dst(%arg7 : memref<80x128xf32, #tpu.memory_space<vmem>>)
      %mul3A_101 = arith.constant 80 : i32
      %mul3A_102 = arith.muli %add3A_85, %mul3A_101 : i32
      %add3A_103 = arith.addi %mul3A_2, %mul3A_102 : i32
      %dma_start3A_104 = arith.constant 0 : i32
      %dma_start3A_105 = tpu.memref_slice %arg4[%add3A_103, %dma_start3A_104] : memref<320000x128xf32, #tpu.memory_space<hbm>> -> memref<80x128xf32, #tpu.memory_space<hbm>>
      %dma_start3A_106 = arith.constant 0 : i32
      %dma_start3A_107 = tpu.memref_slice %arg4[%add3A_103, %dma_start3A_106] : memref<320000x128xf32, #tpu.memory_space<hbm>> -> memref<80x128xf32, #tpu.memory_space<hbm>>
      tpu.enqueue_dma source(%arg7 : memref<80x128xf32, #tpu.memory_space<vmem>>) target(%dma_start3A_107 : memref<80x128xf32, #tpu.memory_space<hbm>>) target_semaphore(%arg11 : memref<!tpu.dma_semaphore, #tpu.memory_space<semaphore_mem>>)
    }
    %scan3A_31 = arith.constant 62 : i32
    %dma_wait3A = arith.constant 0 : i32
    %dma_wait3A_32 = tpu.memref_slice %arg4[%mul3A_2, %dma_wait3A] : memref<320000x128xf32, #tpu.memory_space<hbm>> -> memref<80x128xf32, #tpu.memory_space<hbm>>
    %dma_wait3A_33 = arith.constant 0 : i32
    %dma_wait3A_34 = tpu.memref_slice %arg4[%mul3A_2, %dma_wait3A_33] : memref<320000x128xf32, #tpu.memory_space<hbm>> -> memref<80x128xf32, #tpu.memory_space<hbm>>
    tpu.wait_dma2 semaphore(%arg10 : memref<!tpu.dma_semaphore, #tpu.memory_space<semaphore_mem>>) src(%arg6 : memref<80x128xf32, #tpu.memory_space<vmem>>) dst(%dma_wait3A_34 : memref<80x128xf32, #tpu.memory_space<hbm>>)
    %dma_start3A = arith.constant 9920 : i32
    %dma_start3A_35 = tpu.memref_slice %arg5[%dma_start3A] : memref<10000xi32, #tpu.memory_space<vmem>> -> memref<80xi32, #tpu.memory_space<vmem>>
    %dma_start3A_36 = arith.constant 0 : i32
    %dma_start3A_37 = arith.constant 0 : i32
    %dma_start3A_38 = tpu.memref_slice %arg2[%dma_start3A_36, %dma_start3A_37] : memref<20000x128xf32, #tpu.memory_space<hbm>> -> memref<20000x128xf32, #tpu.memory_space<hbm>>
    tpu.enqueue_indirect_dma source(%dma_start3A_38 : memref<20000x128xf32, #tpu.memory_space<hbm>>) target(%arg6 : memref<80x128xf32, #tpu.memory_space<vmem>>) offsets(%dma_start3A_35 : memref<80xi32, #tpu.memory_space<vmem>>) semaphore(%arg8 : memref<!tpu.dma_semaphore, #tpu.memory_space<semaphore_mem>>)
    %dma_wait3A_39 = arith.constant 9920 : i32
    %dma_wait3A_40 = tpu.memref_slice %arg5[%dma_wait3A_39] : memref<10000xi32, #tpu.memory_space<vmem>> -> memref<80xi32, #tpu.memory_space<vmem>>
    %dma_wait3A_41 = arith.constant 0 : i32
    %dma_wait3A_42 = arith.constant 0 : i32
    %dma_wait3A_43 = tpu.memref_slice %arg2[%dma_wait3A_41, %dma_wait3A_42] : memref<20000x128xf32, #tpu.memory_space<hbm>> -> memref<20000x128xf32, #tpu.memory_space<hbm>>
    tpu.wait_indirect_dma semaphore(%arg8 : memref<!tpu.dma_semaphore, #tpu.memory_space<semaphore_mem>>) src(%dma_wait3A_43 : memref<20000x128xf32, #tpu.memory_space<hbm>>) dst(%arg6 : memref<80x128xf32, #tpu.memory_space<vmem>>)
    %add3A_44 = arith.constant 9920 : i32
    %add3A_45 = arith.addi %mul3A_2, %add3A_44 : i32
    %dma_start3A_46 = arith.constant 0 : i32
    %dma_start3A_47 = tpu.memref_slice %arg4[%add3A_45, %dma_start3A_46] : memref<320000x128xf32, #tpu.memory_space<hbm>> -> memref<80x128xf32, #tpu.memory_space<hbm>>
    %dma_start3A_48 = arith.constant 0 : i32
    %dma_start3A_49 = tpu.memref_slice %arg4[%add3A_45, %dma_start3A_48] : memref<320000x128xf32, #tpu.memory_space<hbm>> -> memref<80x128xf32, #tpu.memory_space<hbm>>
    tpu.enqueue_dma source(%arg6 : memref<80x128xf32, #tpu.memory_space<vmem>>) target(%dma_start3A_49 : memref<80x128xf32, #tpu.memory_space<hbm>>) target_semaphore(%arg10 : memref<!tpu.dma_semaphore, #tpu.memory_space<semaphore_mem>>)
    %dma_wait3A_50 = arith.constant 0 : i32
    %dma_wait3A_51 = tpu.memref_slice %arg4[%mul3A_2, %dma_wait3A_50] : memref<320000x128xf32, #tpu.memory_space<hbm>> -> memref<80x128xf32, #tpu.memory_space<hbm>>
    %dma_wait3A_52 = arith.constant 0 : i32
    %dma_wait3A_53 = tpu.memref_slice %arg4[%mul3A_2, %dma_wait3A_52] : memref<320000x128xf32, #tpu.memory_space<hbm>> -> memref<80x128xf32, #tpu.memory_space<hbm>>
    tpu.wait_dma2 semaphore(%arg11 : memref<!tpu.dma_semaphore, #tpu.memory_space<semaphore_mem>>) src(%arg7 : memref<80x128xf32, #tpu.memory_space<vmem>>) dst(%dma_wait3A_53 : memref<80x128xf32, #tpu.memory_space<hbm>>)
    %dma_wait3A_54 = arith.constant 0 : i32
    %dma_wait3A_55 = tpu.memref_slice %arg4[%mul3A_2, %dma_wait3A_54] : memref<320000x128xf32, #tpu.memory_space<hbm>> -> memref<80x128xf32, #tpu.memory_space<hbm>>
    %dma_wait3A_56 = arith.constant 0 : i32
    %dma_wait3A_57 = tpu.memref_slice %arg4[%mul3A_2, %dma_wait3A_56] : memref<320000x128xf32, #tpu.memory_space<hbm>> -> memref<80x128xf32, #tpu.memory_space<hbm>>
    tpu.wait_dma2 semaphore(%arg10 : memref<!tpu.dma_semaphore, #tpu.memory_space<semaphore_mem>>) src(%arg6 : memref<80x128xf32, #tpu.memory_space<vmem>>) dst(%dma_wait3A_57 : memref<80x128xf32, #tpu.memory_space<hbm>>)
    return
  }
}

module attributes {stable_mosaic.version = 14 : i64} {
  func.func @_stage_a_body(%arg0: i32, %arg1: i32, %arg2: memref<1x400x128xf32, #tpu.memory_space<vmem>>, %arg3: memref<1x400x3xf32, #tpu.memory_space<vmem>>, %arg4: memref<128x64xf32, #tpu.memory_space<vmem>>, %arg5: memref<1x64xf32, #tpu.memory_space<vmem>>, %arg6: memref<1x64xf32, #tpu.memory_space<vmem>>, %arg7: memref<400x128xf32, #tpu.memory_space<vmem>>) attributes {dimension_semantics = [#tpu.dimension_semantics<arbitrary>, #tpu.dimension_semantics<arbitrary>], iteration_bounds = array<i64: 2, 25>, scalar_prefetch = 0 : i64, scratch_operands = 0 : i64, tpu.core_type = #tpu.core_type<tc>, window_params = [{transform_indices = @transform_0, window_bounds = array<i64: 1, 400, 128>}, {transform_indices = @transform_1, window_bounds = array<i64: 1, 400, 3>}, {pipeline_mode = #tpu.pipeline_mode<synchronous>, transform_indices = @transform_2, window_bounds = array<i64: 128, 64>}, {pipeline_mode = #tpu.pipeline_mode<synchronous>, transform_indices = @transform_3, window_bounds = array<i64: 1, 64>}, {pipeline_mode = #tpu.pipeline_mode<synchronous>, transform_indices = @transform_4, window_bounds = array<i64: 1, 64>}, {transform_indices = @transform_5, window_bounds = array<i64: 400, 128>}]} {
    %get3A = arith.constant 0 : index
    %get3A_0 = arith.constant 0 : index
    %get3A_1 = arith.constant 0 : index
    %get3A_2 = vector.load %arg2[%get3A, %get3A_0, %get3A_1] : memref<1x400x128xf32, #tpu.memory_space<vmem>>, vector<1x400x128xf32>
    %get3A_3 = vector.shape_cast %get3A_2 : vector<1x400x128xf32> to vector<400x128xf32>
    %get3A_4 = arith.constant 0 : index
    %get3A_5 = arith.constant 0 : index
    %get3A_6 = vector.load %arg4[%get3A_4, %get3A_5] : memref<128x64xf32, #tpu.memory_space<vmem>>, vector<128x64xf32>
    %dot_general3A = arith.constant dense<0.000000e+00> : vector<400x64xf32>
    %dot_general3A_7 = tpu.matmul %get3A_3, %get3A_6, %dot_general3A {dimension_numbers = #tpu.dot_dimension_numbers<[1], [0], [0], [1], [0, 0, 1, 1], [], []>, transpose_lhs_hint = false} : vector<400x128xf32>, vector<128x64xf32>, vector<400x64xf32> -> vector<400x64xf32>
    %get3A_8 = arith.constant 0 : index
    %get3A_9 = arith.constant 0 : index
    %get3A_10 = vector.load %arg5[%get3A_8, %get3A_9] : memref<1x64xf32, #tpu.memory_space<vmem>>, vector<1x64xf32>
    %mul3A = vector.broadcast %get3A_10 : vector<1x64xf32> to vector<400x64xf32>
    %mul3A_11 = arith.mulf %dot_general3A_7, %mul3A : vector<400x64xf32>
    %get3A_12 = arith.constant 0 : index
    %get3A_13 = arith.constant 0 : index
    %get3A_14 = vector.load %arg6[%get3A_12, %get3A_13] : memref<1x64xf32, #tpu.memory_space<vmem>>, vector<1x64xf32>
    %add3A = vector.broadcast %get3A_14 : vector<1x64xf32> to vector<400x64xf32>
    %add3A_15 = arith.addf %mul3A_11, %add3A : vector<400x64xf32>
    %max3A = arith.constant 0.000000e+00 : f32
    %max3A_16 = vector.broadcast %max3A : f32 to vector<400x64xf32>
    %max3A_17 = arith.maximumf %add3A_15, %max3A_16 : vector<400x64xf32>
    %swap3A = arith.constant 0 : index
    %swap3A_18 = arith.constant 0 : index
    %swap3A_19 = vector.load %arg7[%swap3A, %swap3A_18] : memref<400x128xf32, #tpu.memory_space<vmem>>, vector<400x64xf32>
    tpu.vector_store %arg7[%swap3A, %swap3A_18], %max3A_17 {strides = array<i32>} : memref<400x128xf32, #tpu.memory_space<vmem>>, vector<400x64xf32>,
    %get3A_20 = arith.constant 0 : index
    %get3A_21 = arith.constant 0 : index
    %get3A_22 = arith.constant 0 : index
    %get3A_23 = vector.load %arg3[%get3A_20, %get3A_21, %get3A_22] : memref<1x400x3xf32, #tpu.memory_space<vmem>>, vector<1x400x3xf32>
    %get3A_24 = vector.shape_cast %get3A_23 : vector<1x400x3xf32> to vector<400x3xf32>
    %swap3A_25 = arith.constant 0 : index
    %swap3A_26 = arith.constant 64 : index
    %swap3A_27 = vector.load %arg7[%swap3A_25, %swap3A_26] : memref<400x128xf32, #tpu.memory_space<vmem>>, vector<400x3xf32>
    tpu.vector_store %arg7[%swap3A_25, %swap3A_26], %get3A_24 {strides = array<i32>} : memref<400x128xf32, #tpu.memory_space<vmem>>, vector<400x3xf32>,
    return
  }
  func.func @transform_0(%arg0: i32, %arg1: i32) -> (i32, i32, i32) {
    %c0_i32 = arith.constant 0 : i32
    %c0_i32_0 = arith.constant 0 : i32
    return %arg0, %arg1, %c0_i32 : i32, i32, i32
  }
  func.func @transform_1(%arg0: i32, %arg1: i32) -> (i32, i32, i32) {
    %c0_i32 = arith.constant 0 : i32
    %c0_i32_0 = arith.constant 0 : i32
    return %arg0, %arg1, %c0_i32 : i32, i32, i32
  }
  func.func @transform_2(%arg0: i32, %arg1: i32) -> (i32, i32) {
    %c0_i32 = arith.constant 0 : i32
    %c0_i32_0 = arith.constant 0 : i32
    %c0_i32_1 = arith.constant 0 : i32
    return %c0_i32, %c0_i32_0 : i32, i32
  }
  func.func @transform_3(%arg0: i32, %arg1: i32) -> (i32, i32) {
    %c0_i32 = arith.constant 0 : i32
    %c0_i32_0 = arith.constant 0 : i32
    %c0_i32_1 = arith.constant 0 : i32
    return %c0_i32, %c0_i32_0 : i32, i32
  }
  func.func @transform_4(%arg0: i32, %arg1: i32) -> (i32, i32) {
    %c0_i32 = arith.constant 0 : i32
    %c0_i32_0 = arith.constant 0 : i32
    %c0_i32_1 = arith.constant 0 : i32
    return %c0_i32, %c0_i32_0 : i32, i32
  }
  func.func @transform_5(%arg0: i32, %arg1: i32) -> (i32, i32) {
    %mul3A = arith.constant 25 : i32
    %mul3A_0 = arith.muli %arg0, %mul3A : i32
    %add3A = arith.addi %mul3A_0, %arg1 : i32
    %c0_i32 = arith.constant 0 : i32
    %c0_i32_1 = arith.constant 0 : i32
    return %add3A, %c0_i32 : i32, i32
  }
}

module attributes {stable_mosaic.version = 14 : i64} {
  func.func @_stage_c_body(%arg0: i32, %arg1: i32, %arg2: memref<6400x128xf32, #tpu.memory_space<vmem>>, %arg3: memref<1x400x3xf32, #tpu.memory_space<vmem>>, %arg4: memref<64x1xf32, #tpu.memory_space<vmem>>, %arg5: memref<3x64xf32, #tpu.memory_space<vmem>>, %arg6: memref<3x64xf32, #tpu.memory_space<vmem>>, %arg7: memref<1x64xf32, #tpu.memory_space<vmem>>, %arg8: memref<1x64xf32, #tpu.memory_space<vmem>>, %arg9: memref<128x128xf32, #tpu.memory_space<vmem>>, %arg10: memref<128x64xf32, #tpu.memory_space<vmem>>, %arg11: memref<1x64xf32, #tpu.memory_space<vmem>>, %arg12: memref<1x64xf32, #tpu.memory_space<vmem>>, %arg13: memref<400x128xf32, #tpu.memory_space<vmem>>) attributes {dimension_semantics = [#tpu.dimension_semantics<arbitrary>, #tpu.dimension_semantics<arbitrary>], iteration_bounds = array<i64: 2, 25>, scalar_prefetch = 0 : i64, scratch_operands = 0 : i64, tpu.core_type = #tpu.core_type<tc>, window_params = [{transform_indices = @transform_0, window_bounds = array<i64: 6400, 128>}, {transform_indices = @transform_1, window_bounds = array<i64: 1, 400, 3>}, {pipeline_mode = #tpu.pipeline_mode<synchronous>, transform_indices = @transform_2, window_bounds = array<i64: 64, 1>}, {pipeline_mode = #tpu.pipeline_mode<synchronous>, transform_indices = @transform_3, window_bounds = array<i64: 3, 64>}, {pipeline_mode = #tpu.pipeline_mode<synchronous>, transform_indices = @transform_4, window_bounds = array<i64: 3, 64>}, {pipeline_mode = #tpu.pipeline_mode<synchronous>, transform_indices = @transform_5, window_bounds = array<i64: 1, 64>}, {pipeline_mode = #tpu.pipeline_mode<synchronous>, transform_indices = @transform_6, window_bounds = array<i64: 1, 64>}, {pipeline_mode = #tpu.pipeline_mode<synchronous>, transform_indices = @transform_7, window_bounds = array<i64: 128, 128>}, {pipeline_mode = #tpu.pipeline_mode<synchronous>, transform_indices = @transform_8, window_bounds = array<i64: 128, 64>}, {pipeline_mode = #tpu.pipeline_mode<synchronous>, transform_indices = @transform_9, window_bounds = array<i64: 1, 64>}, {pipeline_mode = #tpu.pipeline_mode<synchronous>, transform_indices = @transform_10, window_bounds = array<i64: 1, 64>}, {transform_indices = @transform_11, window_bounds = array<i64: 400, 128>}]} {
    %get3A = arith.constant 0 : index
    %get3A_0 = arith.constant 0 : index
    %get3A_1 = arith.constant 0 : index
    %get3A_2 = vector.load %arg3[%get3A, %get3A_0, %get3A_1] : memref<1x400x3xf32, #tpu.memory_space<vmem>>, vector<1x400x3xf32>
    %get3A_3 = vector.shape_cast %get3A_2 : vector<1x400x3xf32> to vector<400x3xf32>
    %get3A_4 = arith.constant 0 : index
    %get3A_5 = arith.constant 64 : index
    %get3A_6 = vector.load %arg2[%get3A_4, %get3A_5] : memref<6400x128xf32, #tpu.memory_space<vmem>>, vector<6400x3xf32>
    %broadcast_in_dim3A = vector.shape_cast %get3A_3 : vector<400x3xf32> to vector<400x1x3xf32>
    %reshape3A = vector.shape_cast %get3A_6 : vector<6400x3xf32> to vector<400x16x3xf32>
    %sub3A = vector.broadcast %broadcast_in_dim3A : vector<400x1x3xf32> to vector<400x16x3xf32>
    %sub3A_7 = arith.subf %sub3A, %reshape3A : vector<400x16x3xf32>
    %reshape3A_8 = vector.shape_cast %sub3A_7 : vector<400x16x3xf32> to vector<6400x3xf32>
    %transpose3A = tpu.transpose %reshape3A_8, [1, 0] : vector<6400x3xf32> -> vector<3x6400xf32>
    %mul3A = arith.mulf %transpose3A, %transpose3A : vector<3x6400xf32>
    %reduce_sum3A = arith.constant dense<0.000000e+00> : vector<6400xf32>
    %reduce_sum3A_9 = vector.multi_reduction <add>, %mul3A, %reduce_sum3A [0] : vector<3x6400xf32> to vector<6400xf32>
    %broadcast_in_dim3A_10 = vector.shape_cast %reduce_sum3A_9 : vector<6400xf32> to vector<1x6400xf32>
    %max3A = arith.constant 9.99999968E-21 : f32
    %max3A_11 = vector.broadcast %max3A : f32 to vector<1x6400xf32>
    %max3A_12 = arith.maximumf %broadcast_in_dim3A_10, %max3A_11 : vector<1x6400xf32>
    %sqrt3A = math.sqrt %max3A_12 : vector<1x6400xf32>
    %get3A_13 = arith.constant 0 : index
    %get3A_14 = arith.constant 0 : index
    %get3A_15 = vector.load %arg4[%get3A_13, %get3A_14] : memref<64x1xf32, #tpu.memory_space<vmem>>, vector<64x1xf32>
    %dot_general3A = arith.constant dense<0.000000e+00> : vector<64x6400xf32>
    %dot_general3A_16 = tpu.matmul %get3A_15, %sqrt3A, %dot_general3A {dimension_numbers = #tpu.dot_dimension_numbers<[1], [0], [0], [1], [0, 0, 1, 1], [], []>, transpose_lhs_hint = false} : vector<64x1xf32>, vector<1x6400xf32>, vector<64x6400xf32> -> vector<64x6400xf32>
    %transpose3A_17 = tpu.transpose %dot_general3A_16, [1, 0] : vector<64x6400xf32> -> vector<6400x64xf32>
    %get3A_18 = arith.constant 0 : index
    %get3A_19 = arith.constant 0 : index
    %get3A_20 = vector.load %arg5[%get3A_18, %get3A_19] : memref<3x64xf32, #tpu.memory_space<vmem>>, vector<3x64xf32>
    %dot_general3A_21 = arith.constant dense<0.000000e+00> : vector<400x64xf32>
    %dot_general3A_22 = tpu.matmul %get3A_3, %get3A_20, %dot_general3A_21 {dimension_numbers = #tpu.dot_dimension_numbers<[1], [0], [0], [1], [0, 0, 1, 1], [], []>, transpose_lhs_hint = false} : vector<400x3xf32>, vector<3x64xf32>, vector<400x64xf32> -> vector<400x64xf32>
    %get3A_23 = arith.constant 0 : index
    %get3A_24 = arith.constant 0 : index
    %get3A_25 = vector.load %arg6[%get3A_23, %get3A_24] : memref<3x64xf32, #tpu.memory_space<vmem>>, vector<3x64xf32>
    %dot_general3A_26 = arith.constant dense<0.000000e+00> : vector<6400x64xf32>
    %dot_general3A_27 = tpu.matmul %get3A_6, %get3A_25, %dot_general3A_26 {dimension_numbers = #tpu.dot_dimension_numbers<[1], [0], [0], [1], [0, 0, 1, 1], [], []>, transpose_lhs_hint = false} : vector<6400x3xf32>, vector<3x64xf32>, vector<6400x64xf32> -> vector<6400x64xf32>
    %add3A = arith.addf %transpose3A_17, %dot_general3A_27 : vector<6400x64xf32>
    %reshape3A_28 = vector.shape_cast %add3A : vector<6400x64xf32> to vector<400x16x64xf32>
    %broadcast_in_dim3A_29 = vector.shape_cast %dot_general3A_22 : vector<400x64xf32> to vector<400x1x64xf32>
    %add3A_30 = vector.broadcast %broadcast_in_dim3A_29 : vector<400x1x64xf32> to vector<400x16x64xf32>
    %add3A_31 = arith.addf %reshape3A_28, %add3A_30 : vector<400x16x64xf32>
    %reshape3A_32 = vector.shape_cast %add3A_31 : vector<400x16x64xf32> to vector<6400x64xf32>
    %get3A_33 = arith.constant 0 : index
    %get3A_34 = arith.constant 0 : index
    %get3A_35 = vector.load %arg7[%get3A_33, %get3A_34] : memref<1x64xf32, #tpu.memory_space<vmem>>, vector<1x64xf32>
    %mul3A_36 = vector.broadcast %get3A_35 : vector<1x64xf32> to vector<6400x64xf32>
    %mul3A_37 = arith.mulf %reshape3A_32, %mul3A_36 : vector<6400x64xf32>
    %get3A_38 = arith.constant 0 : index
    %get3A_39 = arith.constant 0 : index
    %get3A_40 = vector.load %arg8[%get3A_38, %get3A_39] : memref<1x64xf32, #tpu.memory_space<vmem>>, vector<1x64xf32>
    %add3A_41 = vector.broadcast %get3A_40 : vector<1x64xf32> to vector<6400x64xf32>
    %add3A_42 = arith.addf %mul3A_37, %add3A_41 : vector<6400x64xf32>
    %max3A_43 = arith.constant 0.000000e+00 : f32
    %max3A_44 = vector.broadcast %max3A_43 : f32 to vector<6400x64xf32>
    %max3A_45 = arith.maximumf %add3A_42, %max3A_44 : vector<6400x64xf32>
    %get3A_46 = arith.constant 0 : index
    %get3A_47 = arith.constant 0 : index
    %get3A_48 = vector.load %arg2[%get3A_46, %get3A_47] : memref<6400x128xf32, #tpu.memory_space<vmem>>, vector<6400x64xf32>
    %concatenate3A = tpu.concatenate %get3A_48, %max3A_45 in 1 : vector<6400x64xf32>, vector<6400x64xf32> -> vector<6400x128xf32>
    %get3A_49 = arith.constant 0 : index
    %get3A_50 = arith.constant 0 : index
    %get3A_51 = vector.load %arg9[%get3A_49, %get3A_50] : memref<128x128xf32, #tpu.memory_space<vmem>>, vector<128x128xf32>
    %dot_general3A_52 = arith.constant dense<0.000000e+00> : vector<6400x128xf32>
    %dot_general3A_53 = tpu.matmul %concatenate3A, %get3A_51, %dot_general3A_52 {dimension_numbers = #tpu.dot_dimension_numbers<[1], [0], [0], [1], [0, 0, 1, 1], [], []>, transpose_lhs_hint = false} : vector<6400x128xf32>, vector<128x128xf32>, vector<6400x128xf32> -> vector<6400x128xf32>
    %reshape3A_54 = vector.shape_cast %dot_general3A_53 : vector<6400x128xf32> to vector<400x16x128xf32>
    %exp3A = math.exp %reshape3A_54 : vector<400x16x128xf32>
    %reshape3A_55 = vector.shape_cast %concatenate3A : vector<6400x128xf32> to vector<400x16x128xf32>
    %mul3A_56 = arith.mulf %reshape3A_55, %exp3A : vector<400x16x128xf32>
    %reduce_sum3A_57 = arith.constant dense<0.000000e+00> : vector<400x128xf32>
    %reduce_sum3A_58 = vector.multi_reduction <add>, %mul3A_56, %reduce_sum3A_57 [1] : vector<400x16x128xf32> to vector<400x128xf32>
    %reduce_sum3A_59 = arith.constant dense<0.000000e+00> : vector<400x128xf32>
    %reduce_sum3A_60 = vector.multi_reduction <add>, %exp3A, %reduce_sum3A_59 [1] : vector<400x16x128xf32> to vector<400x128xf32>
    %div3A = arith.divf %reduce_sum3A_58, %reduce_sum3A_60 : vector<400x128xf32>
    %get3A_61 = arith.constant 0 : index
    %get3A_62 = arith.constant 0 : index
    %get3A_63 = vector.load %arg10[%get3A_61, %get3A_62] : memref<128x64xf32, #tpu.memory_space<vmem>>, vector<128x64xf32>
    %dot_general3A_64 = arith.constant dense<0.000000e+00> : vector<400x64xf32>
    %dot_general3A_65 = tpu.matmul %div3A, %get3A_63, %dot_general3A_64 {dimension_numbers = #tpu.dot_dimension_numbers<[1], [0], [0], [1], [0, 0, 1, 1], [], []>, transpose_lhs_hint = false} : vector<400x128xf32>, vector<128x64xf32>, vector<400x64xf32> -> vector<400x64xf32>
    %get3A_66 = arith.constant 0 : index
    %get3A_67 = arith.constant 0 : index
    %get3A_68 = vector.load %arg11[%get3A_66, %get3A_67] : memref<1x64xf32, #tpu.memory_space<vmem>>, vector<1x64xf32>
    %mul3A_69 = vector.broadcast %get3A_68 : vector<1x64xf32> to vector<400x64xf32>
    %mul3A_70 = arith.mulf %dot_general3A_65, %mul3A_69 : vector<400x64xf32>
    %get3A_71 = arith.constant 0 : index
    %get3A_72 = arith.constant 0 : index
    %get3A_73 = vector.load %arg12[%get3A_71, %get3A_72] : memref<1x64xf32, #tpu.memory_space<vmem>>, vector<1x64xf32>
    %add3A_74 = vector.broadcast %get3A_73 : vector<1x64xf32> to vector<400x64xf32>
    %add3A_75 = arith.addf %mul3A_70, %add3A_74 : vector<400x64xf32>
    %max3A_76 = arith.constant 0.000000e+00 : f32
    %max3A_77 = vector.broadcast %max3A_76 : f32 to vector<400x64xf32>
    %max3A_78 = arith.maximumf %add3A_75, %max3A_77 : vector<400x64xf32>
    %swap3A = arith.constant 0 : index
    %swap3A_79 = arith.constant 0 : index
    %swap3A_80 = vector.load %arg13[%swap3A, %swap3A_79] : memref<400x128xf32, #tpu.memory_space<vmem>>, vector<400x64xf32>
    tpu.vector_store %arg13[%swap3A, %swap3A_79], %max3A_78 {strides = array<i32>} : memref<400x128xf32, #tpu.memory_space<vmem>>, vector<400x64xf32>,
    %swap3A_81 = arith.constant 0 : index
    %swap3A_82 = arith.constant 64 : index
    %swap3A_83 = vector.load %arg13[%swap3A_81, %swap3A_82] : memref<400x128xf32, #tpu.memory_space<vmem>>, vector<400x3xf32>
    tpu.vector_store %arg13[%swap3A_81, %swap3A_82], %get3A_3 {strides = array<i32>} : memref<400x128xf32, #tpu.memory_space<vmem>>, vector<400x3xf32>,
    return
  }
  func.func @transform_0(%arg0: i32, %arg1: i32) -> (i32, i32) {
    %mul3A = arith.constant 25 : i32
    %mul3A_0 = arith.muli %arg0, %mul3A : i32
    %add3A = arith.addi %mul3A_0, %arg1 : i32
    %c0_i32 = arith.constant 0 : i32
    %c0_i32_1 = arith.constant 0 : i32
    return %add3A, %c0_i32 : i32, i32
  }
  func.func @transform_1(%arg0: i32, %arg1: i32) -> (i32, i32, i32) {
    %c0_i32 = arith.constant 0 : i32
    %c0_i32_0 = arith.constant 0 : i32
    return %arg0, %arg1, %c0_i32 : i32, i32, i32
  }
  func.func @transform_2(%arg0: i32, %arg1: i32) -> (i32, i32) {
    %c0_i32 = arith.constant 0 : i32
    %c0_i32_0 = arith.constant 0 : i32
    %c0_i32_1 = arith.constant 0 : i32
    return %c0_i32, %c0_i32_0 : i32, i32
  }
  func.func @transform_3(%arg0: i32, %arg1: i32) -> (i32, i32) {
    %c0_i32 = arith.constant 0 : i32
    %c0_i32_0 = arith.constant 0 : i32
    %c0_i32_1 = arith.constant 0 : i32
    return %c0_i32, %c0_i32_0 : i32, i32
  }
  func.func @transform_4(%arg0: i32, %arg1: i32) -> (i32, i32) {
    %c0_i32 = arith.constant 0 : i32
    %c0_i32_0 = arith.constant 0 : i32
    %c0_i32_1 = arith.constant 0 : i32
    return %c0_i32, %c0_i32_0 : i32, i32
  }
  func.func @transform_5(%arg0: i32, %arg1: i32) -> (i32, i32) {
    %c0_i32 = arith.constant 0 : i32
    %c0_i32_0 = arith.constant 0 : i32
    %c0_i32_1 = arith.constant 0 : i32
    return %c0_i32, %c0_i32_0 : i32, i32
  }
  func.func @transform_6(%arg0: i32, %arg1: i32) -> (i32, i32) {
    %c0_i32 = arith.constant 0 : i32
    %c0_i32_0 = arith.constant 0 : i32
    %c0_i32_1 = arith.constant 0 : i32
    return %c0_i32, %c0_i32_0 : i32, i32
  }
  func.func @transform_7(%arg0: i32, %arg1: i32) -> (i32, i32) {
    %c0_i32 = arith.constant 0 : i32
    %c0_i32_0 = arith.constant 0 : i32
    %c0_i32_1 = arith.constant 0 : i32
    return %c0_i32, %c0_i32_0 : i32, i32
  }
  func.func @transform_8(%arg0: i32, %arg1: i32) -> (i32, i32) {
    %c0_i32 = arith.constant 0 : i32
    %c0_i32_0 = arith.constant 0 : i32
    %c0_i32_1 = arith.constant 0 : i32
    return %c0_i32, %c0_i32_0 : i32, i32
  }
  func.func @transform_9(%arg0: i32, %arg1: i32) -> (i32, i32) {
    %c0_i32 = arith.constant 0 : i32
    %c0_i32_0 = arith.constant 0 : i32
    %c0_i32_1 = arith.constant 0 : i32
    return %c0_i32, %c0_i32_0 : i32, i32
  }
  func.func @transform_10(%arg0: i32, %arg1: i32) -> (i32, i32) {
    %c0_i32 = arith.constant 0 : i32
    %c0_i32_0 = arith.constant 0 : i32
    %c0_i32_1 = arith.constant 0 : i32
    return %c0_i32, %c0_i32_0 : i32, i32
  }
  func.func @transform_11(%arg0: i32, %arg1: i32) -> (i32, i32) {
    %mul3A = arith.constant 25 : i32
    %mul3A_0 = arith.muli %arg0, %mul3A : i32
    %add3A = arith.addi %mul3A_0, %arg1 : i32
    %c0_i32 = arith.constant 0 : i32
    %c0_i32_1 = arith.constant 0 : i32
    return %add3A, %c0_i32 : i32, i32
  }
}

module attributes {stable_mosaic.version = 14 : i64} {
  func.func @_stage_e_body(%arg0: i32, %arg1: i32, %arg2: memref<6400x128xf32, #tpu.memory_space<vmem>>, %arg3: memref<1x400x3xf32, #tpu.memory_space<vmem>>, %arg4: memref<1x400x128xf32, #tpu.memory_space<vmem>>, %arg5: memref<64x1xf32, #tpu.memory_space<vmem>>, %arg6: memref<3x64xf32, #tpu.memory_space<vmem>>, %arg7: memref<3x64xf32, #tpu.memory_space<vmem>>, %arg8: memref<1x64xf32, #tpu.memory_space<vmem>>, %arg9: memref<1x64xf32, #tpu.memory_space<vmem>>, %arg10: memref<64x64xf32, #tpu.memory_space<vmem>>, %arg11: memref<1x64xf32, #tpu.memory_space<vmem>>, %arg12: memref<1x64xf32, #tpu.memory_space<vmem>>, %arg13: memref<128x128xf32, #tpu.memory_space<vmem>>, %arg14: memref<128x128xf32, #tpu.memory_space<vmem>>, %arg15: memref<1x128xf32, #tpu.memory_space<vmem>>, %arg16: memref<1x128xf32, #tpu.memory_space<vmem>>, %arg17: memref<128x256xf32, #tpu.memory_space<vmem>>, %arg18: memref<1x256xf32, #tpu.memory_space<vmem>>, %arg19: memref<1x256xf32, #tpu.memory_space<vmem>>, %arg20: memref<128x256xf32, #tpu.memory_space<vmem>>, %arg21: memref<1x256xf32, #tpu.memory_space<vmem>>, %arg22: memref<1x256xf32, #tpu.memory_space<vmem>>, %arg23: memref<1x400x256xf32, #tpu.memory_space<vmem>>) attributes {dimension_semantics = [#tpu.dimension_semantics<arbitrary>, #tpu.dimension_semantics<arbitrary>], iteration_bounds = array<i64: 2, 25>, scalar_prefetch = 0 : i64, scratch_operands = 0 : i64, tpu.core_type = #tpu.core_type<tc>, window_params = [{transform_indices = @transform_0, window_bounds = array<i64: 6400, 128>}, {transform_indices = @transform_1, window_bounds = array<i64: 1, 400, 3>}, {transform_indices = @transform_2, window_bounds = array<i64: 1, 400, 128>}, {pipeline_mode = #tpu.pipeline_mode<synchronous>, transform_indices = @transform_3, window_bounds = array<i64: 64, 1>}, {pipeline_mode = #tpu.pipeline_mode<synchronous>, transform_indices = @transform_4, window_bounds = array<i64: 3, 64>}, {pipeline_mode = #tpu.pipeline_mode<synchronous>, transform_indices = @transform_5, window_bounds = array<i64: 3, 64>}, {pipeline_mode = #tpu.pipeline_mode<synchronous>, transform_indices = @transform_6, window_bounds = array<i64: 1, 64>}, {pipeline_mode = #tpu.pipeline_mode<synchronous>, transform_indices = @transform_7, window_bounds = array<i64: 1, 64>}, {pipeline_mode = #tpu.pipeline_mode<synchronous>, transform_indices = @transform_8, window_bounds = array<i64: 64, 64>}, {pipeline_mode = #tpu.pipeline_mode<synchronous>, transform_indices = @transform_9, window_bounds = array<i64: 1, 64>}, {pipeline_mode = #tpu.pipeline_mode<synchronous>, transform_indices = @transform_10, window_bounds = array<i64: 1, 64>}, {pipeline_mode = #tpu.pipeline_mode<synchronous>, transform_indices = @transform_11, window_bounds = array<i64: 128, 128>}, {pipeline_mode = #tpu.pipeline_mode<synchronous>, transform_indices = @transform_12, window_bounds = array<i64: 128, 128>}, {pipeline_mode = #tpu.pipeline_mode<synchronous>, transform_indices = @transform_13, window_bounds = array<i64: 1, 128>}, {pipeline_mode = #tpu.pipeline_mode<synchronous>, transform_indices = @transform_14, window_bounds = array<i64: 1, 128>}, {pipeline_mode = #tpu.pipeline_mode<synchronous>, transform_indices = @transform_15, window_bounds = array<i64: 128, 256>}, {pipeline_mode = #tpu.pipeline_mode<synchronous>, transform_indices = @transform_16, window_bounds = array<i64: 1, 256>}, {pipeline_mode = #tpu.pipeline_mode<synchronous>, transform_indices = @transform_17, window_bounds = array<i64: 1, 256>}, {pipeline_mode = #tpu.pipeline_mode<synchronous>, transform_indices = @transform_18, window_bounds = array<i64: 128, 256>}, {pipeline_mode = #tpu.pipeline_mode<synchronous>, transform_indices = @transform_19, window_bounds = array<i64: 1, 256>}, {pipeline_mode = #tpu.pipeline_mode<synchronous>, transform_indices = @transform_20, window_bounds = array<i64: 1, 256>}, {transform_indices = @transform_21, window_bounds = array<i64: 1, 400, 256>}]} {
    %get3A = arith.constant 0 : index
    %get3A_0 = arith.constant 0 : index
    %get3A_1 = arith.constant 0 : index
    %get3A_2 = vector.load %arg3[%get3A, %get3A_0, %get3A_1] : memref<1x400x3xf32, #tpu.memory_space<vmem>>, vector<1x400x3xf32>
    %get3A_3 = vector.shape_cast %get3A_2 : vector<1x400x3xf32> to vector<400x3xf32>
    %get3A_4 = arith.constant 0 : index
    %get3A_5 = arith.constant 64 : index
    %get3A_6 = vector.load %arg2[%get3A_4, %get3A_5] : memref<6400x128xf32, #tpu.memory_space<vmem>>, vector<6400x3xf32>
    %broadcast_in_dim3A = vector.shape_cast %get3A_3 : vector<400x3xf32> to vector<400x1x3xf32>
    %reshape3A = vector.shape_cast %get3A_6 : vector<6400x3xf32> to vector<400x16x3xf32>
    %sub3A = vector.broadcast %broadcast_in_dim3A : vector<400x1x3xf32> to vector<400x16x3xf32>
    %sub3A_7 = arith.subf %sub3A, %reshape3A : vector<400x16x3xf32>
    %reshape3A_8 = vector.shape_cast %sub3A_7 : vector<400x16x3xf32> to vector<6400x3xf32>
    %transpose3A = tpu.transpose %reshape3A_8, [1, 0] : vector<6400x3xf32> -> vector<3x6400xf32>
    %mul3A = arith.mulf %transpose3A, %transpose3A : vector<3x6400xf32>
    %reduce_sum3A = arith.constant dense<0.000000e+00> : vector<6400xf32>
    %reduce_sum3A_9 = vector.multi_reduction <add>, %mul3A, %reduce_sum3A [0] : vector<3x6400xf32> to vector<6400xf32>
    %broadcast_in_dim3A_10 = vector.shape_cast %reduce_sum3A_9 : vector<6400xf32> to vector<1x6400xf32>
    %max3A = arith.constant 9.99999968E-21 : f32
    %max3A_11 = vector.broadcast %max3A : f32 to vector<1x6400xf32>
    %max3A_12 = arith.maximumf %broadcast_in_dim3A_10, %max3A_11 : vector<1x6400xf32>
    %sqrt3A = math.sqrt %max3A_12 : vector<1x6400xf32>
    %get3A_13 = arith.constant 0 : index
    %get3A_14 = arith.constant 0 : index
    %get3A_15 = vector.load %arg5[%get3A_13, %get3A_14] : memref<64x1xf32, #tpu.memory_space<vmem>>, vector<64x1xf32>
    %dot_general3A = arith.constant dense<0.000000e+00> : vector<64x6400xf32>
    %dot_general3A_16 = tpu.matmul %get3A_15, %sqrt3A, %dot_general3A {dimension_numbers = #tpu.dot_dimension_numbers<[1], [0], [0], [1], [0, 0, 1, 1], [], []>, transpose_lhs_hint = false} : vector<64x1xf32>, vector<1x6400xf32>, vector<64x6400xf32> -> vector<64x6400xf32>
    %transpose3A_17 = tpu.transpose %dot_general3A_16, [1, 0] : vector<64x6400xf32> -> vector<6400x64xf32>
    %get3A_18 = arith.constant 0 : index
    %get3A_19 = arith.constant 0 : index
    %get3A_20 = vector.load %arg6[%get3A_18, %get3A_19] : memref<3x64xf32, #tpu.memory_space<vmem>>, vector<3x64xf32>
    %dot_general3A_21 = arith.constant dense<0.000000e+00> : vector<400x64xf32>
    %dot_general3A_22 = tpu.matmul %get3A_3, %get3A_20, %dot_general3A_21 {dimension_numbers = #tpu.dot_dimension_numbers<[1], [0], [0], [1], [0, 0, 1, 1], [], []>, transpose_lhs_hint = false} : vector<400x3xf32>, vector<3x64xf32>, vector<400x64xf32> -> vector<400x64xf32>
    %get3A_23 = arith.constant 0 : index
    %get3A_24 = arith.constant 0 : index
    %get3A_25 = vector.load %arg7[%get3A_23, %get3A_24] : memref<3x64xf32, #tpu.memory_space<vmem>>, vector<3x64xf32>
    %dot_general3A_26 = arith.constant dense<0.000000e+00> : vector<6400x64xf32>
    %dot_general3A_27 = tpu.matmul %get3A_6, %get3A_25, %dot_general3A_26 {dimension_numbers = #tpu.dot_dimension_numbers<[1], [0], [0], [1], [0, 0, 1, 1], [], []>, transpose_lhs_hint = false} : vector<6400x3xf32>, vector<3x64xf32>, vector<6400x64xf32> -> vector<6400x64xf32>
    %add3A = arith.addf %transpose3A_17, %dot_general3A_27 : vector<6400x64xf32>
    %reshape3A_28 = vector.shape_cast %add3A : vector<6400x64xf32> to vector<400x16x64xf32>
    %broadcast_in_dim3A_29 = vector.shape_cast %dot_general3A_22 : vector<400x64xf32> to vector<400x1x64xf32>
    %add3A_30 = vector.broadcast %broadcast_in_dim3A_29 : vector<400x1x64xf32> to vector<400x16x64xf32>
    %add3A_31 = arith.addf %reshape3A_28, %add3A_30 : vector<400x16x64xf32>
    %reshape3A_32 = vector.shape_cast %add3A_31 : vector<400x16x64xf32> to vector<6400x64xf32>
    %get3A_33 = arith.constant 0 : index
    %get3A_34 = arith.constant 0 : index
    %get3A_35 = vector.load %arg8[%get3A_33, %get3A_34] : memref<1x64xf32, #tpu.memory_space<vmem>>, vector<1x64xf32>
    %mul3A_36 = vector.broadcast %get3A_35 : vector<1x64xf32> to vector<6400x64xf32>
    %mul3A_37 = arith.mulf %reshape3A_32, %mul3A_36 : vector<6400x64xf32>
    %get3A_38 = arith.constant 0 : index
    %get3A_39 = arith.constant 0 : index
    %get3A_40 = vector.load %arg9[%get3A_38, %get3A_39] : memref<1x64xf32, #tpu.memory_space<vmem>>, vector<1x64xf32>
    %add3A_41 = vector.broadcast %get3A_40 : vector<1x64xf32> to vector<6400x64xf32>
    %add3A_42 = arith.addf %mul3A_37, %add3A_41 : vector<6400x64xf32>
    %max3A_43 = arith.constant 0.000000e+00 : f32
    %max3A_44 = vector.broadcast %max3A_43 : f32 to vector<6400x64xf32>
    %max3A_45 = arith.maximumf %add3A_42, %max3A_44 : vector<6400x64xf32>
    %get3A_46 = arith.constant 0 : index
    %get3A_47 = arith.constant 0 : index
    %get3A_48 = vector.load %arg10[%get3A_46, %get3A_47] : memref<64x64xf32, #tpu.memory_space<vmem>>, vector<64x64xf32>
    %dot_general3A_49 = arith.constant dense<0.000000e+00> : vector<6400x64xf32>
    %dot_general3A_50 = tpu.matmul %max3A_45, %get3A_48, %dot_general3A_49 {dimension_numbers = #tpu.dot_dimension_numbers<[1], [0], [0], [1], [0, 0, 1, 1], [], []>, transpose_lhs_hint = false} : vector<6400x64xf32>, vector<64x64xf32>, vector<6400x64xf32> -> vector<6400x64xf32>
    %get3A_51 = arith.constant 0 : index
    %get3A_52 = arith.constant 0 : index
    %get3A_53 = vector.load %arg11[%get3A_51, %get3A_52] : memref<1x64xf32, #tpu.memory_space<vmem>>, vector<1x64xf32>
    %mul3A_54 = vector.broadcast %get3A_53 : vector<1x64xf32> to vector<6400x64xf32>
    %mul3A_55 = arith.mulf %dot_general3A_50, %mul3A_54 : vector<6400x64xf32>
    %get3A_56 = arith.constant 0 : index
    %get3A_57 = arith.constant 0 : index
    %get3A_58 = vector.load %arg12[%get3A_56, %get3A_57] : memref<1x64xf32, #tpu.memory_space<vmem>>, vector<1x64xf32>
    %add3A_59 = vector.broadcast %get3A_58 : vector<1x64xf32> to vector<6400x64xf32>
    %add3A_60 = arith.addf %mul3A_55, %add3A_59 : vector<6400x64xf32>
    %max3A_61 = arith.constant 0.000000e+00 : f32
    %max3A_62 = vector.broadcast %max3A_61 : f32 to vector<6400x64xf32>
    %max3A_63 = arith.maximumf %add3A_60, %max3A_62 : vector<6400x64xf32>
    %get3A_64 = arith.constant 0 : index
    %get3A_65 = arith.constant 0 : index
    %get3A_66 = vector.load %arg2[%get3A_64, %get3A_65] : memref<6400x128xf32, #tpu.memory_space<vmem>>, vector<6400x64xf32>
    %concatenate3A = tpu.concatenate %get3A_66, %max3A_63 in 1 : vector<6400x64xf32>, vector<6400x64xf32> -> vector<6400x128xf32>
    %get3A_67 = arith.constant 0 : index
    %get3A_68 = arith.constant 0 : index
    %get3A_69 = vector.load %arg13[%get3A_67, %get3A_68] : memref<128x128xf32, #tpu.memory_space<vmem>>, vector<128x128xf32>
    %dot_general3A_70 = arith.constant dense<0.000000e+00> : vector<6400x128xf32>
    %dot_general3A_71 = tpu.matmul %concatenate3A, %get3A_69, %dot_general3A_70 {dimension_numbers = #tpu.dot_dimension_numbers<[1], [0], [0], [1], [0, 0, 1, 1], [], []>, transpose_lhs_hint = false} : vector<6400x128xf32>, vector<128x128xf32>, vector<6400x128xf32> -> vector<6400x128xf32>
    %reshape3A_72 = vector.shape_cast %dot_general3A_71 : vector<6400x128xf32> to vector<400x16x128xf32>
    %exp3A = math.exp %reshape3A_72 : vector<400x16x128xf32>
    %reshape3A_73 = vector.shape_cast %concatenate3A : vector<6400x128xf32> to vector<400x16x128xf32>
    %mul3A_74 = arith.mulf %reshape3A_73, %exp3A : vector<400x16x128xf32>
    %reduce_sum3A_75 = arith.constant dense<0.000000e+00> : vector<400x128xf32>
    %reduce_sum3A_76 = vector.multi_reduction <add>, %mul3A_74, %reduce_sum3A_75 [1] : vector<400x16x128xf32> to vector<400x128xf32>
    %reduce_sum3A_77 = arith.constant dense<0.000000e+00> : vector<400x128xf32>
    %reduce_sum3A_78 = vector.multi_reduction <add>, %exp3A, %reduce_sum3A_77 [1] : vector<400x16x128xf32> to vector<400x128xf32>
    %div3A = arith.divf %reduce_sum3A_76, %reduce_sum3A_78 : vector<400x128xf32>
    %get3A_79 = arith.constant 0 : index
    %get3A_80 = arith.constant 0 : index
    %get3A_81 = vector.load %arg14[%get3A_79, %get3A_80] : memref<128x128xf32, #tpu.memory_space<vmem>>, vector<128x128xf32>
    %dot_general3A_82 = arith.constant dense<0.000000e+00> : vector<400x128xf32>
    %dot_general3A_83 = tpu.matmul %div3A, %get3A_81, %dot_general3A_82 {dimension_numbers = #tpu.dot_dimension_numbers<[1], [0], [0], [1], [0, 0, 1, 1], [], []>, transpose_lhs_hint = false} : vector<400x128xf32>, vector<128x128xf32>, vector<400x128xf32> -> vector<400x128xf32>
    %get3A_84 = arith.constant 0 : index
    %get3A_85 = arith.constant 0 : index
    %get3A_86 = vector.load %arg15[%get3A_84, %get3A_85] : memref<1x128xf32, #tpu.memory_space<vmem>>, vector<1x128xf32>
    %mul3A_87 = vector.broadcast %get3A_86 : vector<1x128xf32> to vector<400x128xf32>
    %mul3A_88 = arith.mulf %dot_general3A_83, %mul3A_87 : vector<400x128xf32>
    %get3A_89 = arith.constant 0 : index
    %get3A_90 = arith.constant 0 : index
    %get3A_91 = vector.load %arg16[%get3A_89, %get3A_90] : memref<1x128xf32, #tpu.memory_space<vmem>>, vector<1x128xf32>
    %add3A_92 = vector.broadcast %get3A_91 : vector<1x128xf32> to vector<400x128xf32>
    %add3A_93 = arith.addf %mul3A_88, %add3A_92 : vector<400x128xf32>
    %max3A_94 = arith.constant 0.000000e+00 : f32
    %max3A_95 = vector.broadcast %max3A_94 : f32 to vector<400x128xf32>
    %max3A_96 = arith.maximumf %add3A_93, %max3A_95 : vector<400x128xf32>
    %get3A_97 = arith.constant 0 : index
    %get3A_98 = arith.constant 0 : index
    %get3A_99 = vector.load %arg17[%get3A_97, %get3A_98] : memref<128x256xf32, #tpu.memory_space<vmem>>, vector<128x256xf32>
    %dot_general3A_100 = arith.constant dense<0.000000e+00> : vector<400x256xf32>
    %dot_general3A_101 = tpu.matmul %max3A_96, %get3A_99, %dot_general3A_100 {dimension_numbers = #tpu.dot_dimension_numbers<[1], [0], [0], [1], [0, 0, 1, 1], [], []>, transpose_lhs_hint = false} : vector<400x128xf32>, vector<128x256xf32>, vector<400x256xf32> -> vector<400x256xf32>
    %get3A_102 = arith.constant 0 : index
    %get3A_103 = arith.constant 0 : index
    %get3A_104 = vector.load %arg18[%get3A_102, %get3A_103] : memref<1x256xf32, #tpu.memory_space<vmem>>, vector<1x256xf32>
    %mul3A_105 = vector.broadcast %get3A_104 : vector<1x256xf32> to vector<400x256xf32>
    %mul3A_106 = arith.mulf %dot_general3A_101, %mul3A_105 : vector<400x256xf32>
    %get3A_107 = arith.constant 0 : index
    %get3A_108 = arith.constant 0 : index
    %get3A_109 = vector.load %arg19[%get3A_107, %get3A_108] : memref<1x256xf32, #tpu.memory_space<vmem>>, vector<1x256xf32>
    %add3A_110 = vector.broadcast %get3A_109 : vector<1x256xf32> to vector<400x256xf32>
    %add3A_111 = arith.addf %mul3A_106, %add3A_110 : vector<400x256xf32>
    %get3A_112 = arith.constant 0 : index
    %get3A_113 = arith.constant 0 : index
    %get3A_114 = arith.constant 0 : index
    %get3A_115 = vector.load %arg4[%get3A_112, %get3A_113, %get3A_114] : memref<1x400x128xf32, #tpu.memory_space<vmem>>, vector<1x400x128xf32>
    %get3A_116 = vector.shape_cast %get3A_115 : vector<1x400x128xf32> to vector<400x128xf32>
    %get3A_117 = arith.constant 0 : index
    %get3A_118 = arith.constant 0 : index
    %get3A_119 = vector.load %arg20[%get3A_117, %get3A_118] : memref<128x256xf32, #tpu.memory_space<vmem>>, vector<128x256xf32>
    %dot_general3A_120 = arith.constant dense<0.000000e+00> : vector<400x256xf32>
    %dot_general3A_121 = tpu.matmul %get3A_116, %get3A_119, %dot_general3A_120 {dimension_numbers = #tpu.dot_dimension_numbers<[1], [0], [0], [1], [0, 0, 1, 1], [], []>, transpose_lhs_hint = false} : vector<400x128xf32>, vector<128x256xf32>, vector<400x256xf32> -> vector<400x256xf32>
    %get3A_122 = arith.constant 0 : index
    %get3A_123 = arith.constant 0 : index
    %get3A_124 = vector.load %arg21[%get3A_122, %get3A_123] : memref<1x256xf32, #tpu.memory_space<vmem>>, vector<1x256xf32>
    %mul3A_125 = vector.broadcast %get3A_124 : vector<1x256xf32> to vector<400x256xf32>
    %mul3A_126 = arith.mulf %dot_general3A_121, %mul3A_125 : vector<400x256xf32>
    %get3A_127 = arith.constant 0 : index
    %get3A_128 = arith.constant 0 : index
    %get3A_129 = vector.load %arg22[%get3A_127, %get3A_128] : memref<1x256xf32, #tpu.memory_space<vmem>>, vector<1x256xf32>
    %add3A_130 = vector.broadcast %get3A_129 : vector<1x256xf32> to vector<400x256xf32>
    %add3A_131 = arith.addf %mul3A_126, %add3A_130 : vector<400x256xf32>
    %add3A_132 = arith.addf %add3A_111, %add3A_131 : vector<400x256xf32>
    %ge3A = arith.constant 0.000000e+00 : f32
    %ge3A_133 = vector.broadcast %ge3A : f32 to vector<400x256xf32>
    %ge3A_134 = arith.cmpf oge, %add3A_132, %ge3A_133 : vector<400x256xf32>
    %mul3A_135 = arith.constant 2.000000e-01 : f32
    %mul3A_136 = vector.broadcast %mul3A_135 : f32 to vector<400x256xf32>
    %mul3A_137 = arith.mulf %mul3A_136, %add3A_132 : vector<400x256xf32>
    %select_n3A = arith.select %ge3A_134, %add3A_132, %mul3A_137 : vector<400x256xi1>, vector<400x256xf32>
    %reshape3A_138 = vector.shape_cast %select_n3A : vector<400x256xf32> to vector<1x400x256xf32>
    %swap3A = arith.constant 0 : index
    %swap3A_139 = arith.constant 0 : index
    %swap3A_140 = arith.constant 0 : index
    %swap3A_141 = vector.load %arg23[%swap3A, %swap3A_139, %swap3A_140] : memref<1x400x256xf32, #tpu.memory_space<vmem>>, vector<1x400x256xf32>
    tpu.vector_store %arg23[%swap3A, %swap3A_139, %swap3A_140], %reshape3A_138 {strides = array<i32>} : memref<1x400x256xf32, #tpu.memory_space<vmem>>, vector<1x400x256xf32>,
    return
  }
  func.func @transform_0(%arg0: i32, %arg1: i32) -> (i32, i32) {
    %mul3A = arith.constant 25 : i32
    %mul3A_0 = arith.muli %arg0, %mul3A : i32
    %add3A = arith.addi %mul3A_0, %arg1 : i32
    %c0_i32 = arith.constant 0 : i32
    %c0_i32_1 = arith.constant 0 : i32
    return %add3A, %c0_i32 : i32, i32
  }
  func.func @transform_1(%arg0: i32, %arg1: i32) -> (i32, i32, i32) {
    %c0_i32 = arith.constant 0 : i32
    %c0_i32_0 = arith.constant 0 : i32
    return %arg0, %arg1, %c0_i32 : i32, i32, i32
  }
  func.func @transform_2(%arg0: i32, %arg1: i32) -> (i32, i32, i32) {
    %c0_i32 = arith.constant 0 : i32
    %c0_i32_0 = arith.constant 0 : i32
    return %arg0, %arg1, %c0_i32 : i32, i32, i32
  }
  func.func @transform_3(%arg0: i32, %arg1: i32) -> (i32, i32) {
    %c0_i32 = arith.constant 0 : i32
    %c0_i32_0 = arith.constant 0 : i32
    %c0_i32_1 = arith.constant 0 : i32
    return %c0_i32, %c0_i32_0 : i32, i32
  }
  func.func @transform_4(%arg0: i32, %arg1: i32) -> (i32, i32) {
    %c0_i32 = arith.constant 0 : i32
    %c0_i32_0 = arith.constant 0 : i32
    %c0_i32_1 = arith.constant 0 : i32
    return %c0_i32, %c0_i32_0 : i32, i32
  }
  func.func @transform_5(%arg0: i32, %arg1: i32) -> (i32, i32) {
    %c0_i32 = arith.constant 0 : i32
    %c0_i32_0 = arith.constant 0 : i32
    %c0_i32_1 = arith.constant 0 : i32
    return %c0_i32, %c0_i32_0 : i32, i32
  }
  func.func @transform_6(%arg0: i32, %arg1: i32) -> (i32, i32) {
    %c0_i32 = arith.constant 0 : i32
    %c0_i32_0 = arith.constant 0 : i32
    %c0_i32_1 = arith.constant 0 : i32
    return %c0_i32, %c0_i32_0 : i32, i32
  }
  func.func @transform_7(%arg0: i32, %arg1: i32) -> (i32, i32) {
    %c0_i32 = arith.constant 0 : i32
    %c0_i32_0 = arith.constant 0 : i32
    %c0_i32_1 = arith.constant 0 : i32
    return %c0_i32, %c0_i32_0 : i32, i32
  }
  func.func @transform_8(%arg0: i32, %arg1: i32) -> (i32, i32) {
    %c0_i32 = arith.constant 0 : i32
    %c0_i32_0 = arith.constant 0 : i32
    %c0_i32_1 = arith.constant 0 : i32
    return %c0_i32, %c0_i32_0 : i32, i32
  }
  func.func @transform_9(%arg0: i32, %arg1: i32) -> (i32, i32) {
    %c0_i32 = arith.constant 0 : i32
    %c0_i32_0 = arith.constant 0 : i32
    %c0_i32_1 = arith.constant 0 : i32
    return %c0_i32, %c0_i32_0 : i32, i32
  }
  func.func @transform_10(%arg0: i32, %arg1: i32) -> (i32, i32) {
    %c0_i32 = arith.constant 0 : i32
    %c0_i32_0 = arith.constant 0 : i32
    %c0_i32_1 = arith.constant 0 : i32
    return %c0_i32, %c0_i32_0 : i32, i32
  }
  func.func @transform_11(%arg0: i32, %arg1: i32) -> (i32, i32) {
    %c0_i32 = arith.constant 0 : i32
    %c0_i32_0 = arith.constant 0 : i32
    %c0_i32_1 = arith.constant 0 : i32
    return %c0_i32, %c0_i32_0 : i32, i32
  }
  func.func @transform_12(%arg0: i32, %arg1: i32) -> (i32, i32) {
    %c0_i32 = arith.constant 0 : i32
    %c0_i32_0 = arith.constant 0 : i32
    %c0_i32_1 = arith.constant 0 : i32
    return %c0_i32, %c0_i32_0 : i32, i32
  }
  func.func @transform_13(%arg0: i32, %arg1: i32) -> (i32, i32) {
    %c0_i32 = arith.constant 0 : i32
    %c0_i32_0 = arith.constant 0 : i32
    %c0_i32_1 = arith.constant 0 : i32
    return %c0_i32, %c0_i32_0 : i32, i32
  }
  func.func @transform_14(%arg0: i32, %arg1: i32) -> (i32, i32) {
    %c0_i32 = arith.constant 0 : i32
    %c0_i32_0 = arith.constant 0 : i32
    %c0_i32_1 = arith.constant 0 : i32
    return %c0_i32, %c0_i32_0 : i32, i32
  }
  func.func @transform_15(%arg0: i32, %arg1: i32) -> (i32, i32) {
    %c0_i32 = arith.constant 0 : i32
    %c0_i32_0 = arith.constant 0 : i32
    %c0_i32_1 = arith.constant 0 : i32
    return %c0_i32, %c0_i32_0 : i32, i32
  }
  func.func @transform_16(%arg0: i32, %arg1: i32) -> (i32, i32) {
    %c0_i32 = arith.constant 0 : i32
    %c0_i32_0 = arith.constant 0 : i32
    %c0_i32_1 = arith.constant 0 : i32
    return %c0_i32, %c0_i32_0 : i32, i32
  }
  func.func @transform_17(%arg0: i32, %arg1: i32) -> (i32, i32) {
    %c0_i32 = arith.constant 0 : i32
    %c0_i32_0 = arith.constant 0 : i32
    %c0_i32_1 = arith.constant 0 : i32
    return %c0_i32, %c0_i32_0 : i32, i32
  }
  func.func @transform_18(%arg0: i32, %arg1: i32) -> (i32, i32) {
    %c0_i32 = arith.constant 0 : i32
    %c0_i32_0 = arith.constant 0 : i32
    %c0_i32_1 = arith.constant 0 : i32
    return %c0_i32, %c0_i32_0 : i32, i32
  }
  func.func @transform_19(%arg0: i32, %arg1: i32) -> (i32, i32) {
    %c0_i32 = arith.constant 0 : i32
    %c0_i32_0 = arith.constant 0 : i32
    %c0_i32_1 = arith.constant 0 : i32
    return %c0_i32, %c0_i32_0 : i32, i32
  }
  func.func @transform_20(%arg0: i32, %arg1: i32) -> (i32, i32) {
    %c0_i32 = arith.constant 0 : i32
    %c0_i32_0 = arith.constant 0 : i32
    %c0_i32_1 = arith.constant 0 : i32
    return %c0_i32, %c0_i32_0 : i32, i32
  }
  func.func @transform_21(%arg0: i32, %arg1: i32) -> (i32, i32, i32) {
    %c0_i32 = arith.constant 0 : i32
    %c0_i32_0 = arith.constant 0 : i32
    return %arg0, %arg1, %c0_i32 : i32, i32, i32
  }
}

</mosaic_0001>

<sc_bundles>
// kernel: kernel.10.cloned.1.call-start
scs
__scs_entry_jumppad:
0x0: {  	(pc) =	sbr.rel $0x88, $3  }
0x1: {  	(tag) =	ssettag $0x0;
	lr =	simm.s32 $0x1  }
0x2: {  	[smem:$0x3F87] =	sst lr;
	_ =	strace $0xD0000000  }
0x3: {  	_ = 	snop  }
0x4: {  	_ = 	snop  }
0x5: {  	_ = 	snop  }
0x6: {  	_ = 	snop  }
0x7: {  	_ = 	snop  }
__scs_overlays_trampoline_lowered:
0x8: {  	[smem:$0x3F96] =	sst s0  }
0x9: {  	[smem:$0x3F97] =	sst s1  }
0xa: {  	[smem:$0x3F98] =	sst s2  }
0xb: {  	[smem:$0x3F99] =	sst s3  }
0xc: {  	[smem:$0x3F9A] =	sst s4  }
0xd: {  	[smem:$0x3F9B] =	sst s5  }
0xe: {  	[smem:$0x3F9C] =	sst s6  }
0xf: {  	[smem:$0x3F9D] =	sst s7  }
0x10: {  	[smem:$0x3F9E] =	sst s8  }
0x11: {  	[smem:$0x3F9F] =	sst s9;
	s0 =	simm.s32 @!p0 $0x0  }
0x12: {  	s1 =	sld [smem:$0x3F85];
	s0 =	simm.s32 @p0 $0x1  }
0x13: {  	[smem:$0x3FA0] =	sst s0;
	s0 =	simm.s32 @!p1 $0x0  }
0x14: {  	s2 =	sld [smem:$0x3F84];
	s0 =	simm.s32 @p1 $0x1  }
0x15: {  	[smem:$0x3FA1] =	sst s0;
	s0 =	simm.s32 @!p2 $0x0  }
0x16: {  	s3 =	sld [smem:$0x3FDB];
	s0 =	simm.s32 @p2 $0x1  }
0x17: {  	s4 =	simm.s32 $0x1BF5;
	[smem:$0x3FA3] =	sst s0  }
0x18: {  	s0 =	sld [smem:$0x3F86];
	_ =	swait.ge [sflag:s4], $0x0  }
0x19: {  	s7 =	sld [smem:$0x3F87]  }
0x1a: {  	s8 =	sadd.s32 $0xFFFFE003, lr  }
0x1b: {  	s9 =	sadd.s32 $0xFFFFFEF7, lr;
	s5 =	simm.s32 $0xFFFFFFFF;
	p2 =	slt.u32 s8, $0xFFFFF086  }
0x1c: {  	p1 =	slt.u32 s9, $0xF7A;
	s5 =	simm.s32 @!p2 $0x0  }
0x1d: {  	s5 =	simm.s32 @p1 $0x1;
	p0 =	seq.s32 s7, s2  }
0x1e: {  	s7 =	smul.u32 @!p0 $0xF7A, s2;
	p2 =	seq.s32 @!p0 s5, $0x0  }
0x1f: {  	s9 =	smul.u32 $0xF7A, s1;
	s8 =	simm.s32 @!p0 $0x1BF5;
	p2 =	por !p2, p0  }
0x20: {  	[sflag:s8] =	ssyncset.s32 @!p0 $0xFFFFF086;
	s6 =	sadd.s32 @!p0 s3, s7;
	s7 =	simm.s32 @!p0 $0x108  }
0x21: {  	s3 =	sadd.s32 s3, s9;
	s6 =	sadd.s32 @!p0 $0x88, s6;
	s7 =	simm.s32 @p2 $0x1082  }
0x22: {  	[simem:s7], [sflag:s8] =	dma.local @!p0 [hbm:s6], $0xF7A  }
0x23: {  	s9 =	sor.u32 $0xD0000000, s2;
	s6 =	simm.s32 $0x108;
	_ =	swait.ge @!p0 [sflag:s8], $0x0  }
0x24: {  	s3 =	sadd.s32 $0x88, s3;
	s6 =	simm.s32 @!p1 $0x1082;
	[sflag:s4] =	ssyncset.s32 $0xFFFFF086  }
0x25: {  	[simem:s6], [sflag:s4] =	dma.local [hbm:s3], $0xF7A  }
0x26: {  	[smem:$0x3F87] =	sst s1;
	(tag) =	ssettag s2;
	_ =	strace s9  }
0x27: {  	s1 =	sld [smem:$0x3F97]  }
0x28: {  	s2 =	sld [smem:$0x3F98]  }
0x29: {  	s4 =	sld [smem:$0x3F9A]  }
0x2a: {  	p0 =	seq.s32 s5, $0x0;
	s5 =	sld [smem:$0x3F9B]  }
0x2b: {  	s6 =	sld [smem:$0x3F9C]  }
0x2c: {  	s7 =	sld [smem:$0x3F9D]  }
0x2d: {  	s3 =	simm.s32 $0x108;
	s8 =	sld [smem:$0x3F9E]  }
0x2e: {  	s3 =	simm.s32 @!p0 $0x1082;
	s9 =	sld [smem:$0x3F9F]  }
0x2f: {  	lr =	sadd.s32 s0, s3;
	s0 =	sld [smem:$0x3F96]  }
0x30: {  	s3 =	sld [smem:$0x3F99]  }
0x31: {  	[smem:$0x3FA2] =	sst s10  }
0x32: {  	s10 =	sld [smem:$0x3FA0];
	_ =	sdelay $0x3  }
0x33: {  	p0 =	seq.s32 s10, $0x1;
	s10 =	sld [smem:$0x3FA2];
	_ =	sdelay $0x3  }
0x34: {  	[smem:$0x3FA2] =	sst s10  }
0x35: {  	s10 =	sld [smem:$0x3FA1];
	_ =	sdelay $0x3  }
0x36: {  	p1 =	seq.s32 s10, $0x1;
	s10 =	sld [smem:$0x3FA2];
	_ =	sdelay $0x3  }
0x37: {  	[smem:$0x3FA2] =	sst s10  }
0x38: {  	s10 =	sld [smem:$0x3FA3]  }
0x39: {  	_ = 	snop;
	(pc) =	sbr.ind lr, $3  }
0x3a: {  	_ = 	snop  }
0x3b: {  	_ = 	snop  }
0x3c: {  	p2 =	seq.s32 s10, $0x1;
	s10 =	sld [smem:$0x3FA2]  }
0x3d: {  	_ =	shalt  }
0x3e: {  	_ =	shalt  }
0x3f: {  	_ =	shalt  }
0x40: {  	_ =	shalt  }
0x41: {  	_ =	shalt  }
0x42: {  	_ =	shalt  }
0x43: {  	_ =	shalt  }
0x44: {  	_ =	shalt  }
0x45: {  	_ =	shalt  }
0x46: {  	_ =	shalt  }
0x47: {  	_ =	shalt  }
0x48: {  	_ =	shalt  }
0x49: {  	_ =	shalt  }
0x4a: {  	_ =	shalt  }
0x4b: {  	_ =	shalt  }
0x4c: {  	_ =	shalt  }
0x4d: {  	_ =	shalt  }
0x4e: {  	_ =	shalt  }
0x4f: {  	_ =	shalt  }
0x50: {  	_ =	shalt  }
0x51: {  	_ =	shalt  }
0x52: {  	_ =	shalt  }
0x53: {  	_ =	shalt  }
0x54: {  	_ =	shalt  }
0x55: {  	_ =	shalt  }
0x56: {  	_ =	shalt  }
0x57: {  	_ =	shalt  }
0x58: {  	_ =	shalt  }
0x59: {  	_ =	shalt  }
0x5a: {  	_ =	shalt  }
0x5b: {  	_ =	shalt  }
0x5c: {  	_ =	shalt  }
0x5d: {  	_ =	shalt  }
0x5e: {  	_ =	shalt  }
0x5f: {  	_ =	shalt  }
0x60: {  	_ =	shalt  }
0x61: {  	_ =	shalt  }
0x62: {  	_ =	shalt  }
0x63: {  	_ =	shalt  }
0x64: {  	_ =	shalt  }
0x65: {  	_ =	shalt  }
0x66: {  	_ =	shalt  }
0x67: {  	_ =	shalt  }
0x68: {  	_ =	shalt  }
0x69: {  	_ =	shalt  }
0x6a: {  	_ =	shalt  }
0x6b: {  	_ =	shalt  }
0x6c: {  	_ =	shalt  }
0x6d: {  	_ =	shalt  }
0x6e: {  	_ =	shalt  }
0x6f: {  	_ =	shalt  }
0x70: {  	_ =	shalt  }
0x71: {  	_ =	shalt  }
0x72: {  	_ =	shalt  }
0x73: {  	_ =	shalt  }
0x74: {  	_ =	shalt  }
0x75: {  	_ =	shalt  }
0x76: {  	_ =	shalt  }
0x77: {  	_ =	shalt  }
0x78: {  	_ =	shalt  }
0x79: {  	_ =	shalt  }
0x7a: {  	_ =	shalt  }
0x7b: {  	_ =	shalt  }
0x7c: {  	_ =	shalt  }
0x7d: {  	_ =	shalt  }
0x7e: {  	_ =	shalt  }
0x7f: {  	_ =	shalt  }
0x80: {  	_ =	shalt  }
0x81: {  	_ =	shalt  }
0x82: {  	_ =	shalt  }
0x83: {  	_ =	shalt  }
0x84: {  	_ =	shalt  }
0x85: {  	_ =	shalt  }
0x86: {  	_ =	shalt  }
0x87: {  	_ =	shalt  }
.Lfunc_end0:
.L_simem_size_0:
called_computation.1_lowered:
.L_overlay_start_0:
0x88: {  	s2 =	sld [smem:$0x3FD9]  }
0x89: {  	s3 =	sld [smem:$0x3FFE];
	_ =	sdelay $0x1  }
0x8a: {  	s1 =	srdreg.scid  }
0x8b: {  	s0 =	sand.u32 $0x1, s1  }
0x8c: {  	s16 =	sshll.u32 s0, $0xA;
	s2 =	sadd.s32 s3, s2  }
0x8d: {  	s2 =	sadd.s32 s2, s16  }
0x8e: {  	[smem:$0x3FAE] =	sst s2  }
0x8f: {  	_ = 	snop  }
0x90: {  	(tm) =	ssettm $0x1  }
0x91: {  	s17 =	sld [smem:$0x3FFB];
	_ =	sdelay $0x3  }
0x92: {  	_ =	strace s17  }
0x93: {  	s2 =	sld [smem:$0x3FFC];
	_ =	sdelay $0x3  }
0x94: {  	_ =	strace s2  }
0x95: {  	s2 =	sld [smem:$0x3FFD];
	_ =	sdelay $0x3  }
0x96: {  	_ =	strace s2  }
0x97: {  	_ =	strace $0x8FFFFFFF  }
0x98: {  	s18 =	sld [smem:$0x3FDB];
	_ =	sdelay $0x1  }
0x99: {  	s19 =	simm.s32 $_scs_section_size  }
0x9a: {  	s4 =	simm.s32 $_size__tile_overlayer_lowered;
	s5 =	simm.s32 $_tile_overlayer_lowered  }
0x9b: {  	s22 =	simm.s32 $0x1BFF;
	s21 =	sshll.u32 s5, $0x1;
	s2 =	sadd.s32 s19, s18  }
0x9c: {  	s6 =	simm.s32 $0x0;
	s20 =	sshll.u32 s4, $0x1;
	s4 =	sadd.s32 s21, s2  }
0x9d: {  	[timem:s6], [sflag:s22] =	dma.local [hbm:s4], s20  }
0x9e: {  	_ =	swait.ge [sflag:s22], s20  }
0x9f: {  	s3 =	ssub.s32 $0x0, s20;
	[sflag:s22] =	ssyncset.done $0x0  }
0xa0: {  	[sflag:s22] =	ssyncadd.s32 s3;
	_ =	sdelay $0x1  }
0xa1: {  	s23 =	simm.s32 $0x1B8B  }
0xa2: {  	_ =	swait.ge [sflag:s23], $0x1  }
0xa3: {  	[sflag:s23] =	ssyncset.done $0x0  }
0xa4: {  	s25 =	simm.s32 $0x1B8E;
	s24 =	sld [smem:$0x3FFE];
	[sflag:s23] =	ssyncadd.s32 $0xFFFFFFFF  }
0xa5: {  	s26 =	simm.s32 $execute0_lowered;
	[smem:$0x3FD2] =	sst s25  }
0xa6: {  	s4 =	sshll.u32 s26, $0x1;
	_ =	strace $0x80000049;
	[dreg:$0x1] =	wrdreg $0xFFFFFFFF  }
0xa7: {  	s28 =	simm.s32 $_size_execute0_lowered;
	s2 =	sadd.s32 s2, s4;
	[dreg:$0x0] =	wrdreg $0x0  }
0xa8: {  	s4 =	sshll.u32 s28, $0x1;
	[dreg:$0x2] =	wrdreg s2  }
0xa9: {  	[dreg:$0x3] =	wrdreg s4  }
0xaa: {  	[dreg:$0x4] =	wrdreg $0xC0  }
0xab: {  	_ =	task [dreg:s6], $0x5FFFF  }
0xac: {  	[dreg:$0x1] =	wrdreg $0xFFFFFFFF  }
0xad: {  	[dreg:$0x0] =	wrdreg $0x60  }
0xae: {  	[dreg:$0x2] =	wrdreg s24  }
0xaf: {  	[dreg:$0x3] =	wrdreg $0x9  }
0xb0: {  	_ =	task.clear_ibuf [dreg:s6], $0x4FFFF;
	_ =	strace $0x90000049  }
0xb1: {  	s29 =	simm.s32 $0x9;
	_ =	strace $0x8000004B  }
0xb2: {  	_ =	swait.ge [sflag:s29], $0x1  }
0xb3: {  	[sflag:s29] =	ssyncadd.s32 $0xFFFFFFFF  }
0xb4: {  	_ =	strace $0x9000004B  }
0xb5: {  	_ =	sfence  }
0xb6: {  	s30 =	sld [smem:$0x0];
	_ =	sdelay $0x2  }
0xb7: {  	s31 =	sshll.u32 s1, $0xD;
	s1 =	sshrl.u32 s1, $0x2  }
0xb8: {  	s3 =	sand.u32 $0x4000, s31;
	s1 =	sadd.s32 s1, s30  }
0xb9: {  	s0 =	sor.u32 s3, s0;
	s1 =	sshll.u32 s1, $0x11  }
0xba: {  	s0 =	sor.u32 s1, s0  }
0xbb: {  	s0 =	sadd.s32 $0x8F2B, s0  }
0xbc: {  	[sflag:s0] =	ssyncadd.remote.s32 $0x1  }
0xbd: {  	_ =	sfence.sel $0xFFFF  }
0xbe: {  	[dreg:$0x0] =	wrdreg $0xFFFFFFFF;
	(pc) =	sbr.abs _section_cstart, $3  }
0xbf: {  	[dreg:$0x1] =	wrdreg $0xFFFFFFFF  }
0xc0: {  	_ =	task.clear_ibuf [dreg:s6], $0x2FFFF;
	_ =	strace $0x9FFFFFFF  }
0xc1: {  	(tm) =	ssettm $0x7FFFFFFF  }
tec
execute0_lowered:
.L_overlay_start_1:
0x0: {  	(tag) =	ssettag $0x1  }
0x1: {  	s1 =	srdreg.scid  }
0x2: {  	s0 =	stileid.u32;
	s4 =	rddreg [dreg:$0x0];
	s2 =	simm.s32 $0x0  }
0x3: {  	s13 =	simm.s32 $0x1;
	s14 =	simm.s32 $0x4F80;
	s15 =	simm.s32 $0x2  }
0x4: {  	s16 =	simm.s32 $0x3;
	s18 =	simm.s32 $0x26C0;
	s19 =	simm.s32 $0x0  }
0x5: {  	s6 =	sand.u32 $0x1, s1;
	s8 =	sshrl.u32 s0, $0x3;
	s31 =	smul.u32 $0x4E200, s0  }
0x6: {  	s26 =	sshll.u32 s0, $0x1;
	s1 =	rddreg [dreg:$0x1];
	s17 =	smul.u32 $0x2710, s8  }
0x7: {  	[smem:$0x7FF] =	sst s2;
	s5 =	sor.u32 s6, s26;
	s12 =	smul.u32 $0x27100, s6  }
0x8: {  	s3 =	sadd.s32 $0x10000, s4;
	s28 =	ssub.s32 $0x2, s6;
	s7 =	smul.u32 $0x2710, s5  }
0x9: {  	s10 =	sadd.s32 $0x5E200, s4;
	s9 =	smul.u32 $0x138800, s5;
	s29 =	sshrl.u32 s28, $0x1  }
0xa: {  	_ =	strace $0x8000004A;
	s11 =	smul.u32 $0x27100, s5;
	s8 =	ssub.s32 s28, s29  }
0xb: {  	v0 =	vmov s17;
	s17 =	simm.s32 $0x4;
	s7 =	sshrl.u32 s7, $0x3;
	s9 =	sshrl.u32 s9, $0x3  }
0xc: {  	s6 =	smax.u32 s8, $0x1;
	s7 =	sadd.s32 s7, s4;
	s30 =	sadd.s32 s10, s9  }
0xd: {  	s9 =	sadd.s32 s31, s10;
	s4 =	sadd.s32 $0x6200, s7;
	s5 =	sadd.s32 $0x26C00, s30  }
0xe: {  	s7 =	sadd.s32 s10, s11;
	s9 =	sadd.s32 s12, s9;
	s10 =	simm.s32 $0x5  }
0xf: {  	s11 =	simm.s32 $0x50;
	s12 =	simm.s32 $0x2780;
	s8 =	sadd.s32 $0x500, s7  }
.LBB2_1:
0x10: {  	[tilespmem:s2], [sflag:$0x5] =	stream.linear.gather [hbm4b:s4+s2], $0x2710, $0x38;
	[tilespmem:$0x7780] =	vst v63  }
0x11: {  	_ =	swait.ge [sflag:s10], $0x2710  }
0x12: {  	[sflag:s10] =	ssyncset.done $0x0  }
0x13: {  	s20 =	simm.s32 $0x0;
	s21 =	simm.s32 $0x40;
	[sflag:s10] =	ssyncadd.s32 $0xFFFFD8F0  }
.LBB2_2:
0x14: {  	p0 =	sne.s32 s21, $0x9C00;
	v1 =	vld [tilespmem:s20+$0x0];
	_ =	sdelay $0x1  }
.Ltmp0:
0x15: {  	(pc) =	sbr.rel @p0 .LBB2_2-.Ltmp0, $3  }
0x16: {  	_ =	sdelay $0x1  }
0x17: {  	v1 =	vadd.s32 v0, v1  }
0x18: {  	[tilespmem:s20+$0x0] =	vst v1;
	s20 =	sshra.s32 s21, $0x2;
	s21 =	sadd.s32 $0x40, s21  }
0x19: {  	v1 =	vld [tilespmem:s20+$0x0];
	_ =	sdelay $0x4  }
0x1a: {  	v1 =	vadd.s32 v0, v1  }
0x1b: {  	s28 =	simm.s32 $0x0;
	[tilespmem:s20+$0x0] =	vst v1  }
0x1c: {  	[tilespmem:s12], [sflag:$0x1] =	stream.indirect.gather [hbm4b:s3+s11], $0x80, s28, s11, $0xb8;
	[tilespmem:$0x7780] =	vst v63  }
0x1d: {  	_ =	swait.ge [sflag:s13], $0x2800  }
0x1e: {  	[sflag:s13] =	ssyncset.done $0x0  }
0x1f: {  	[sflag:s13] =	ssyncadd.s32 $0xFFFFD800  }
0x20: {  	[hbm4b:s7+s28] =	stream.linear.scatter [tilespmem:s12], [sflag:$0x3], $0x2800, $0x38;
	[tilespmem:$0x7780] =	vst v63  }
0x21: {  	_ = 	snop  }
0x22: {  	[tilespmem:s14], [sflag:$0x2] =	stream.indirect.gather [hbm4b:s3+s11], $0x80, s11, s11, $0xb8;
	[tilespmem:$0x7780] =	vst v63  }
0x23: {  	_ =	swait.ge [sflag:s15], $0x2800  }
0x24: {  	[sflag:s15] =	ssyncset.done $0x0  }
0x25: {  	[sflag:s15] =	ssyncadd.s32 $0xFFFFD800  }
0x26: {  	[hbm4b:s8+s28] =	stream.linear.scatter [tilespmem:s14], [sflag:$0x4], $0x2800, $0x38;
	[tilespmem:$0x7780] =	vst v63  }
0x27: {  	_ =	swait.ge [sflag:s16], $0x2800  }
0x28: {  	[sflag:s16] =	ssyncset.done $0x0  }
0x29: {  	s29 =	simm.s32 $0xA0;
	[sflag:s16] =	ssyncadd.s32 $0xFFFFD800  }
0x2a: {  	[tilespmem:s12], [sflag:$0x1] =	stream.indirect.gather [hbm4b:s3+s11], $0x80, s29, s11, $0xb8;
	[tilespmem:$0x7780] =	vst v63  }
0x2b: {  	_ =	swait.ge [sflag:s13], $0x2800  }
0x2c: {  	s21 =	sadd.s32 $0x0, s9;
	[sflag:s13] =	ssyncset.done $0x0  }
0x2d: {  	s30 =	sadd.s32 $0xA00, s21;
	[sflag:s13] =	ssyncadd.s32 $0xFFFFD800  }
0x2e: {  	[hbm4b:s30+s2] =	stream.linear.scatter [tilespmem:s12], [sflag:$0x3], $0x2800, $0x38;
	[tilespmem:$0x7780] =	vst v63  }
0x2f: {  	_ =	swait.ge [sflag:s17], $0x2800  }
0x30: {  	[sflag:s17] =	ssyncset.done $0x0  }
0x31: {  	s31 =	simm.s32 $0xF0;
	[sflag:s17] =	ssyncadd.s32 $0xFFFFD800  }
0x32: {  	[tilespmem:s14], [sflag:$0x2] =	stream.indirect.gather [hbm4b:s3+s11], $0x80, s31, s11, $0xb8;
	[tilespmem:$0x7780] =	vst v63  }
0x33: {  	_ =	swait.ge [sflag:s15], $0x2800  }
0x34: {  	s22 =	sadd.s32 $0xF00, s21;
	[sflag:s15] =	ssyncset.done $0x0  }
0x35: {  	s21 =	simm.s32 $0x190;
	s20 =	simm.s32 $0xA00;
	[sflag:s15] =	ssyncadd.s32 $0xFFFFD800  }
.LBB2_4:
0x36: {  	[hbm4b:s22+s2] =	stream.linear.scatter [tilespmem:s14], [sflag:$0x4], $0x2800, $0x38;
	[tilespmem:$0x7780] =	vst v63  }
0x37: {  	s22 =	smov.u32 s20  }
0x38: {  	p0 =	sne.s32 s20, $0x25800;
	s20 =	sadd.s32 $0xA00, s20;
	_ =	swait.ge [sflag:s16], $0x2800  }
0x39: {  	[sflag:s16] =	ssyncset.done $0x0  }
0x3a: {  	s23 =	sadd.s32 $0xFFFFFFB0, s21;
	[sflag:s16] =	ssyncadd.s32 $0xFFFFD800  }
0x3b: {  	[tilespmem:s12], [sflag:$0x1] =	stream.indirect.gather [hbm4b:s3+s11], $0x80, s23, s11, $0xb8;
	[tilespmem:$0x7780] =	vst v63  }
0x3c: {  	_ =	swait.ge [sflag:s13], $0x2800  }
0x3d: {  	s22 =	sadd.s32 s22, s9;
	[sflag:s13] =	ssyncset.done $0x0  }
0x3e: {  	s23 =	sadd.s32 $0xA00, s22;
	[sflag:s13] =	ssyncadd.s32 $0xFFFFD800  }
0x3f: {  	[hbm4b:s23+s2] =	stream.linear.scatter [tilespmem:s12], [sflag:$0x3], $0x2800, $0x38;
	[tilespmem:$0x7780] =	vst v63  }
0x40: {  	_ =	swait.ge [sflag:s17], $0x2800  }
0x41: {  	[sflag:s17] =	ssyncset.done $0x0  }
.Ltmp1:
0x42: {  	[sflag:s17] =	ssyncadd.s32 $0xFFFFD800;
	(pc) =	sbr.rel @p0 .LBB2_4-.Ltmp1, $4  }
0x43: {  	[tilespmem:s14], [sflag:$0x2] =	stream.indirect.gather [hbm4b:s3+s11], $0x80, s21, s11, $0xb8;
	[tilespmem:$0x7780] =	vst v63  }
0x44: {  	_ =	swait.ge [sflag:s15], $0x2800  }
0x45: {  	[sflag:s15] =	ssyncset.done $0x0  }
0x46: {  	s22 =	sadd.s32 $0xF00, s22;
	s21 =	sadd.s32 $0xA0, s21;
	[sflag:s15] =	ssyncadd.s32 $0xFFFFD800  }
0x47: {  	[hbm4b:s22+s2] =	stream.linear.scatter [tilespmem:s14], [sflag:$0x4], $0x2800, $0x38;
	[tilespmem:$0x7780] =	vst v63  }
0x48: {  	_ =	swait.ge [sflag:s16], $0x2800  }
0x49: {  	[sflag:s16] =	ssyncset.done $0x0  }
0x4a: {  	[sflag:s16] =	ssyncadd.s32 $0xFFFFD800  }
0x4b: {  	[tilespmem:s12], [sflag:$0x1] =	stream.indirect.gather [hbm4b:s3+s11], $0x80, s18, s11, $0xb8;
	[tilespmem:$0x7780] =	vst v63  }
0x4c: {  	_ =	swait.ge [sflag:s13], $0x2800  }
0x4d: {  	[sflag:s13] =	ssyncset.done $0x0  }
0x4e: {  	s19 =	sadd.s32 $0x1, s19;
	[sflag:s13] =	ssyncadd.s32 $0xFFFFD800  }
0x4f: {  	[hbm4b:s5+s2] =	stream.linear.scatter [tilespmem:s12], [sflag:$0x3], $0x2800, $0x38;
	[tilespmem:$0x7780] =	vst v63  }
0x50: {  	p0 =	sne.s32 s19, s6;
	_ =	swait.ge [sflag:s17], $0x2800  }
.Ltmp2:
0x51: {  	[sflag:s17] =	ssyncset.done $0x0;
	(pc) =	sbr.rel @p0 .LBB2_1-.Ltmp2, $4  }
0x52: {  	[sflag:s17] =	ssyncadd.s32 $0xFFFFD800  }
0x53: {  	_ =	swait.ge [sflag:s16], $0x2800  }
0x54: {  	[sflag:s16] =	ssyncset.done $0x0  }
0x55: {  	[sflag:s16] =	ssyncadd.s32 $0xFFFFD800  }
0x56: {  	_ =	sfence.sel $0x180000  }
0x57: {  	[bflag:$0x0] =	sbarrier.arrive $0xFFFF  }
0x58: {  	p0 =	sne.s32 s0, $0x0;
	_ =	strace $0x9000004A  }
0x59: {  	s0 =	sadd.s32 @!p0 $0x100000, s1;
	[bflag:$0x2] =	sbarrier.arrive $0xFFFF  }
0x5a: {  	[sflag:s0] =	ssyncadd.tile.s32 @!p0 $0x1;
	_ =	shalt  }
.Lfunc_end2:
_tile_overlayer_lowered:
.L_overlay_start_2:
0x5b: {  	(tag) =	ssettag $0x2  }
0x5c: {  	s0 =	rddreg [dreg:$0x0];
	s2 =	stileid.u32  }
0x5d: {  	s1 =	rddreg [dreg:$0x1];
	p0 =	sne.s32 s2, $0x0  }
0x5e: {  	s3 =	rddreg [dreg:$0x2];
	[bflag:$0x3] =	sbarrier.arrive $0xFFFF;
	s2 =	simm.s32 @!p0 $0x1C05  }
0x5f: {  	[timem:s3], [sflag:s2] =	dma.local @!p0 [hbm:s0], s1  }
0x60: {  	s0 =	simm.s32 @!p0 $0x5  }
0x61: {  	_ =	swait.ge @!p0 [sflag:s0], s1  }
0x62: {  	s1 =	ssub.s32 @!p0 $0x0, s1;
	[sflag:s0] =	ssyncset.done @!p0 $0x0  }
0x63: {  	[sflag:s0] =	ssyncadd.s32 @!p0 s1  }
0x64: {  	[bflag:$0x3] =	sbarrier.arrive $0xFFFF  }
0x65: {  	_ =	shalt  }

// kernel: kernel.7.cloned.1.call-start
scs
__scs_entry_jumppad:
0x0: {  	(pc) =	sbr.rel $0x88, $3  }
0x1: {  	(tag) =	ssettag $0x0;
	lr =	simm.s32 $0x1  }
0x2: {  	[smem:$0x3F87] =	sst lr;
	_ =	strace $0xD0000000  }
0x3: {  	_ = 	snop  }
0x4: {  	_ = 	snop  }
0x5: {  	_ = 	snop  }
0x6: {  	_ = 	snop  }
0x7: {  	_ = 	snop  }
__scs_overlays_trampoline_lowered:
0x8: {  	[smem:$0x3F96] =	sst s0  }
0x9: {  	[smem:$0x3F97] =	sst s1  }
0xa: {  	[smem:$0x3F98] =	sst s2  }
0xb: {  	[smem:$0x3F99] =	sst s3  }
0xc: {  	[smem:$0x3F9A] =	sst s4  }
0xd: {  	[smem:$0x3F9B] =	sst s5  }
0xe: {  	[smem:$0x3F9C] =	sst s6  }
0xf: {  	[smem:$0x3F9D] =	sst s7  }
0x10: {  	[smem:$0x3F9E] =	sst s8  }
0x11: {  	[smem:$0x3F9F] =	sst s9;
	s0 =	simm.s32 @!p0 $0x0  }
0x12: {  	s1 =	sld [smem:$0x3F85];
	s0 =	simm.s32 @p0 $0x1  }
0x13: {  	[smem:$0x3FA0] =	sst s0;
	s0 =	simm.s32 @!p1 $0x0  }
0x14: {  	s2 =	sld [smem:$0x3F84];
	s0 =	simm.s32 @p1 $0x1  }
0x15: {  	[smem:$0x3FA1] =	sst s0;
	s0 =	simm.s32 @!p2 $0x0  }
0x16: {  	s3 =	sld [smem:$0x3FDB];
	s0 =	simm.s32 @p2 $0x1  }
0x17: {  	s4 =	simm.s32 $0x1BF5;
	[smem:$0x3FA3] =	sst s0  }
0x18: {  	s0 =	sld [smem:$0x3F86];
	_ =	swait.ge [sflag:s4], $0x0  }
0x19: {  	s7 =	sld [smem:$0x3F87]  }
0x1a: {  	s8 =	sadd.s32 $0xFFFFE003, lr  }
0x1b: {  	s9 =	sadd.s32 $0xFFFFFEF7, lr;
	s5 =	simm.s32 $0xFFFFFFFF;
	p2 =	slt.u32 s8, $0xFFFFF086  }
0x1c: {  	p1 =	slt.u32 s9, $0xF7A;
	s5 =	simm.s32 @!p2 $0x0  }
0x1d: {  	s5 =	simm.s32 @p1 $0x1;
	p0 =	seq.s32 s7, s2  }
0x1e: {  	s7 =	smul.u32 @!p0 $0xF7A, s2;
	p2 =	seq.s32 @!p0 s5, $0x0  }
0x1f: {  	s9 =	smul.u32 $0xF7A, s1;
	s8 =	simm.s32 @!p0 $0x1BF5;
	p2 =	por !p2, p0  }
0x20: {  	[sflag:s8] =	ssyncset.s32 @!p0 $0xFFFFF086;
	s6 =	sadd.s32 @!p0 s3, s7;
	s7 =	simm.s32 @!p0 $0x108  }
0x21: {  	s3 =	sadd.s32 s3, s9;
	s6 =	sadd.s32 @!p0 $0x88, s6;
	s7 =	simm.s32 @p2 $0x1082  }
0x22: {  	[simem:s7], [sflag:s8] =	dma.local @!p0 [hbm:s6], $0xF7A  }
0x23: {  	s9 =	sor.u32 $0xD0000000, s2;
	s6 =	simm.s32 $0x108;
	_ =	swait.ge @!p0 [sflag:s8], $0x0  }
0x24: {  	s3 =	sadd.s32 $0x88, s3;
	s6 =	simm.s32 @!p1 $0x1082;
	[sflag:s4] =	ssyncset.s32 $0xFFFFF086  }
0x25: {  	[simem:s6], [sflag:s4] =	dma.local [hbm:s3], $0xF7A  }
0x26: {  	[smem:$0x3F87] =	sst s1;
	(tag) =	ssettag s2;
	_ =	strace s9  }
0x27: {  	s1 =	sld [smem:$0x3F97]  }
0x28: {  	s2 =	sld [smem:$0x3F98]  }
0x29: {  	s4 =	sld [smem:$0x3F9A]  }
0x2a: {  	p0 =	seq.s32 s5, $0x0;
	s5 =	sld [smem:$0x3F9B]  }
0x2b: {  	s6 =	sld [smem:$0x3F9C]  }
0x2c: {  	s7 =	sld [smem:$0x3F9D]  }
0x2d: {  	s3 =	simm.s32 $0x108;
	s8 =	sld [smem:$0x3F9E]  }
0x2e: {  	s3 =	simm.s32 @!p0 $0x1082;
	s9 =	sld [smem:$0x3F9F]  }
0x2f: {  	lr =	sadd.s32 s0, s3;
	s0 =	sld [smem:$0x3F96]  }
0x30: {  	s3 =	sld [smem:$0x3F99]  }
0x31: {  	[smem:$0x3FA2] =	sst s10  }
0x32: {  	s10 =	sld [smem:$0x3FA0];
	_ =	sdelay $0x3  }
0x33: {  	p0 =	seq.s32 s10, $0x1;
	s10 =	sld [smem:$0x3FA2];
	_ =	sdelay $0x3  }
0x34: {  	[smem:$0x3FA2] =	sst s10  }
0x35: {  	s10 =	sld [smem:$0x3FA1];
	_ =	sdelay $0x3  }
0x36: {  	p1 =	seq.s32 s10, $0x1;
	s10 =	sld [smem:$0x3FA2];
	_ =	sdelay $0x3  }
0x37: {  	[smem:$0x3FA2] =	sst s10  }
0x38: {  	s10 =	sld [smem:$0x3FA3]  }
0x39: {  	_ = 	snop;
	(pc) =	sbr.ind lr, $3  }
0x3a: {  	_ = 	snop  }
0x3b: {  	_ = 	snop  }
0x3c: {  	p2 =	seq.s32 s10, $0x1;
	s10 =	sld [smem:$0x3FA2]  }
0x3d: {  	_ =	shalt  }
0x3e: {  	_ =	shalt  }
0x3f: {  	_ =	shalt  }
0x40: {  	_ =	shalt  }
0x41: {  	_ =	shalt  }
0x42: {  	_ =	shalt  }
0x43: {  	_ =	shalt  }
0x44: {  	_ =	shalt  }
0x45: {  	_ =	shalt  }
0x46: {  	_ =	shalt  }
0x47: {  	_ =	shalt  }
0x48: {  	_ =	shalt  }
0x49: {  	_ =	shalt  }
0x4a: {  	_ =	shalt  }
0x4b: {  	_ =	shalt  }
0x4c: {  	_ =	shalt  }
0x4d: {  	_ =	shalt  }
0x4e: {  	_ =	shalt  }
0x4f: {  	_ =	shalt  }
0x50: {  	_ =	shalt  }
0x51: {  	_ =	shalt  }
0x52: {  	_ =	shalt  }
0x53: {  	_ =	shalt  }
0x54: {  	_ =	shalt  }
0x55: {  	_ =	shalt  }
0x56: {  	_ =	shalt  }
0x57: {  	_ =	shalt  }
0x58: {  	_ =	shalt  }
0x59: {  	_ =	shalt  }
0x5a: {  	_ =	shalt  }
0x5b: {  	_ =	shalt  }
0x5c: {  	_ =	shalt  }
0x5d: {  	_ =	shalt  }
0x5e: {  	_ =	shalt  }
0x5f: {  	_ =	shalt  }
0x60: {  	_ =	shalt  }
0x61: {  	_ =	shalt  }
0x62: {  	_ =	shalt  }
0x63: {  	_ =	shalt  }
0x64: {  	_ =	shalt  }
0x65: {  	_ =	shalt  }
0x66: {  	_ =	shalt  }
0x67: {  	_ =	shalt  }
0x68: {  	_ =	shalt  }
0x69: {  	_ =	shalt  }
0x6a: {  	_ =	shalt  }
0x6b: {  	_ =	shalt  }
0x6c: {  	_ =	shalt  }
0x6d: {  	_ =	shalt  }
0x6e: {  	_ =	shalt  }
0x6f: {  	_ =	shalt  }
0x70: {  	_ =	shalt  }
0x71: {  	_ =	shalt  }
0x72: {  	_ =	shalt  }
0x73: {  	_ =	shalt  }
0x74: {  	_ =	shalt  }
0x75: {  	_ =	shalt  }
0x76: {  	_ =	shalt  }
0x77: {  	_ =	shalt  }
0x78: {  	_ =	shalt  }
0x79: {  	_ =	shalt  }
0x7a: {  	_ =	shalt  }
0x7b: {  	_ =	shalt  }
0x7c: {  	_ =	shalt  }
0x7d: {  	_ =	shalt  }
0x7e: {  	_ =	shalt  }
0x7f: {  	_ =	shalt  }
0x80: {  	_ =	shalt  }
0x81: {  	_ =	shalt  }
0x82: {  	_ =	shalt  }
0x83: {  	_ =	shalt  }
0x84: {  	_ =	shalt  }
0x85: {  	_ =	shalt  }
0x86: {  	_ =	shalt  }
0x87: {  	_ =	shalt  }
.Lfunc_end0:
.L_simem_size_0:
called_computation_lowered:
.L_overlay_start_0:
0x88: {  	s2 =	sld [smem:$0x3FD9]  }
0x89: {  	s3 =	sld [smem:$0x3FFE];
	_ =	sdelay $0x1  }
0x8a: {  	s1 =	srdreg.scid  }
0x8b: {  	s0 =	sand.u32 $0x1, s1  }
0x8c: {  	s16 =	sshll.u32 s0, $0xA;
	s2 =	sadd.s32 s3, s2  }
0x8d: {  	s2 =	sadd.s32 s2, s16  }
0x8e: {  	[smem:$0x3FAE] =	sst s2  }
0x8f: {  	_ = 	snop  }
0x90: {  	(tm) =	ssettm $0x1  }
0x91: {  	s17 =	sld [smem:$0x3FFB];
	_ =	sdelay $0x3  }
0x92: {  	_ =	strace s17  }
0x93: {  	s2 =	sld [smem:$0x3FFC];
	_ =	sdelay $0x3  }
0x94: {  	_ =	strace s2  }
0x95: {  	s2 =	sld [smem:$0x3FFD];
	_ =	sdelay $0x3  }
0x96: {  	_ =	strace s2  }
0x97: {  	_ =	strace $0x8FFFFFFF  }
0x98: {  	s18 =	sld [smem:$0x3FDB];
	_ =	sdelay $0x1  }
0x99: {  	s19 =	simm.s32 $_scs_section_size  }
0x9a: {  	s4 =	simm.s32 $_size__tile_overlayer_lowered;
	s5 =	simm.s32 $_tile_overlayer_lowered  }
0x9b: {  	s22 =	simm.s32 $0x1BFF;
	s21 =	sshll.u32 s5, $0x1;
	s2 =	sadd.s32 s19, s18  }
0x9c: {  	s6 =	simm.s32 $0x0;
	s20 =	sshll.u32 s4, $0x1;
	s4 =	sadd.s32 s21, s2  }
0x9d: {  	[timem:s6], [sflag:s22] =	dma.local [hbm:s4], s20  }
0x9e: {  	_ =	swait.ge [sflag:s22], s20  }
0x9f: {  	s3 =	ssub.s32 $0x0, s20;
	[sflag:s22] =	ssyncset.done $0x0  }
0xa0: {  	[sflag:s22] =	ssyncadd.s32 s3;
	_ =	sdelay $0x1  }
0xa1: {  	s23 =	simm.s32 $0x1B8B  }
0xa2: {  	_ =	swait.ge [sflag:s23], $0x1  }
0xa3: {  	[sflag:s23] =	ssyncset.done $0x0  }
0xa4: {  	s25 =	simm.s32 $0x1B8E;
	s24 =	sld [smem:$0x3FFE];
	[sflag:s23] =	ssyncadd.s32 $0xFFFFFFFF  }
0xa5: {  	s26 =	simm.s32 $execute0_lowered;
	[smem:$0x3FD2] =	sst s25  }
0xa6: {  	s4 =	sshll.u32 s26, $0x1;
	_ =	strace $0x80000046;
	[dreg:$0x1] =	wrdreg $0xFFFFFFFF  }
0xa7: {  	s28 =	simm.s32 $_size_execute0_lowered;
	s2 =	sadd.s32 s2, s4;
	[dreg:$0x0] =	wrdreg $0x0  }
0xa8: {  	s4 =	sshll.u32 s28, $0x1;
	[dreg:$0x2] =	wrdreg s2  }
0xa9: {  	[dreg:$0x3] =	wrdreg s4  }
0xaa: {  	[dreg:$0x4] =	wrdreg $0xC0  }
0xab: {  	_ =	task [dreg:s6], $0x5FFFF  }
0xac: {  	[dreg:$0x1] =	wrdreg $0xFFFFFFFF  }
0xad: {  	[dreg:$0x0] =	wrdreg $0x60  }
0xae: {  	[dreg:$0x2] =	wrdreg s24  }
0xaf: {  	[dreg:$0x3] =	wrdreg $0x9  }
0xb0: {  	_ =	task.clear_ibuf [dreg:s6], $0x4FFFF;
	_ =	strace $0x90000046  }
0xb1: {  	s29 =	simm.s32 $0x9;
	_ =	strace $0x80000048  }
0xb2: {  	_ =	swait.ge [sflag:s29], $0x1  }
0xb3: {  	[sflag:s29] =	ssyncadd.s32 $0xFFFFFFFF  }
0xb4: {  	_ =	strace $0x90000048  }
0xb5: {  	_ =	sfence  }
0xb6: {  	s30 =	sld [smem:$0x0];
	_ =	sdelay $0x2  }
0xb7: {  	s31 =	sshll.u32 s1, $0xD;
	s1 =	sshrl.u32 s1, $0x2  }
0xb8: {  	s3 =	sand.u32 $0x4000, s31;
	s1 =	sadd.s32 s1, s30  }
0xb9: {  	s0 =	sor.u32 s3, s0;
	s1 =	sshll.u32 s1, $0x11  }
0xba: {  	s0 =	sor.u32 s1, s0  }
0xbb: {  	s0 =	sadd.s32 $0x8F2B, s0  }
0xbc: {  	[sflag:s0] =	ssyncadd.remote.s32 $0x1  }
0xbd: {  	_ =	sfence.sel $0xFFFF  }
0xbe: {  	[dreg:$0x0] =	wrdreg $0xFFFFFFFF;
	(pc) =	sbr.abs _section_cstart, $3  }
0xbf: {  	[dreg:$0x1] =	wrdreg $0xFFFFFFFF  }
0xc0: {  	_ =	task.clear_ibuf [dreg:s6], $0x2FFFF;
	_ =	strace $0x9FFFFFFF  }
0xc1: {  	(tm) =	ssettm $0x7FFFFFFF  }
tec
execute0_lowered:
.L_overlay_start_1:
0x0: {  	(tag) =	ssettag $0x1  }
0x1: {  	s1 =	srdreg.scid  }
0x2: {  	s0 =	stileid.u32;
	s4 =	rddreg [dreg:$0x0];
	s2 =	simm.s32 $0x0  }
0x3: {  	s13 =	simm.s32 $0x1;
	s14 =	simm.s32 $0x4F80;
	s15 =	simm.s32 $0x2  }
0x4: {  	s16 =	simm.s32 $0x3;
	s18 =	simm.s32 $0x26C0;
	s19 =	simm.s32 $0x0  }
0x5: {  	s6 =	sand.u32 $0x1, s1;
	s8 =	sshrl.u32 s0, $0x3;
	s31 =	smul.u32 $0x4E200, s0  }
0x6: {  	s26 =	sshll.u32 s0, $0x1;
	s1 =	rddreg [dreg:$0x1];
	s17 =	smul.u32 $0x2710, s8  }
0x7: {  	[smem:$0x7FF] =	sst s2;
	s5 =	sor.u32 s6, s26;
	s12 =	smul.u32 $0x27100, s6  }
0x8: {  	s3 =	sadd.s32 $0x10000, s4;
	s28 =	ssub.s32 $0x2, s6;
	s7 =	smul.u32 $0x2710, s5  }
0x9: {  	s10 =	sadd.s32 $0x5E200, s4;
	s9 =	smul.u32 $0x138800, s5;
	s29 =	sshrl.u32 s28, $0x1  }
0xa: {  	_ =	strace $0x80000047;
	s11 =	smul.u32 $0x27100, s5;
	s8 =	ssub.s32 s28, s29  }
0xb: {  	v0 =	vmov s17;
	s17 =	simm.s32 $0x4;
	s7 =	sshrl.u32 s7, $0x3;
	s9 =	sshrl.u32 s9, $0x3  }
0xc: {  	s6 =	smax.u32 s8, $0x1;
	s7 =	sadd.s32 s7, s4;
	s30 =	sadd.s32 s10, s9  }
0xd: {  	s9 =	sadd.s32 s31, s10;
	s4 =	sadd.s32 $0x6200, s7;
	s5 =	sadd.s32 $0x26C00, s30  }
0xe: {  	s7 =	sadd.s32 s10, s11;
	s9 =	sadd.s32 s12, s9;
	s10 =	simm.s32 $0x5  }
0xf: {  	s11 =	simm.s32 $0x50;
	s12 =	simm.s32 $0x2780;
	s8 =	sadd.s32 $0x500, s7  }
.LBB2_1:
0x10: {  	[tilespmem:s2], [sflag:$0x5] =	stream.linear.gather [hbm4b:s4+s2], $0x2710, $0x38;
	[tilespmem:$0x7780] =	vst v63  }
0x11: {  	_ =	swait.ge [sflag:s10], $0x2710  }
0x12: {  	[sflag:s10] =	ssyncset.done $0x0  }
0x13: {  	s20 =	simm.s32 $0x0;
	s21 =	simm.s32 $0x40;
	[sflag:s10] =	ssyncadd.s32 $0xFFFFD8F0  }
.LBB2_2:
0x14: {  	p0 =	sne.s32 s21, $0x9C00;
	v1 =	vld [tilespmem:s20+$0x0];
	_ =	sdelay $0x1  }
.Ltmp0:
0x15: {  	(pc) =	sbr.rel @p0 .LBB2_2-.Ltmp0, $3  }
0x16: {  	_ =	sdelay $0x1  }
0x17: {  	v1 =	vadd.s32 v0, v1  }
0x18: {  	[tilespmem:s20+$0x0] =	vst v1;
	s20 =	sshra.s32 s21, $0x2;
	s21 =	sadd.s32 $0x40, s21  }
0x19: {  	v1 =	vld [tilespmem:s20+$0x0];
	_ =	sdelay $0x4  }
0x1a: {  	v1 =	vadd.s32 v0, v1  }
0x1b: {  	s28 =	simm.s32 $0x0;
	[tilespmem:s20+$0x0] =	vst v1  }
0x1c: {  	[tilespmem:s12], [sflag:$0x1] =	stream.indirect.gather [hbm4b:s3+s11], $0x80, s28, s11, $0xb8;
	[tilespmem:$0x7780] =	vst v63  }
0x1d: {  	_ =	swait.ge [sflag:s13], $0x2800  }
0x1e: {  	[sflag:s13] =	ssyncset.done $0x0  }
0x1f: {  	[sflag:s13] =	ssyncadd.s32 $0xFFFFD800  }
0x20: {  	[hbm4b:s7+s28] =	stream.linear.scatter [tilespmem:s12], [sflag:$0x3], $0x2800, $0x38;
	[tilespmem:$0x7780] =	vst v63  }
0x21: {  	_ = 	snop  }
0x22: {  	[tilespmem:s14], [sflag:$0x2] =	stream.indirect.gather [hbm4b:s3+s11], $0x80, s11, s11, $0xb8;
	[tilespmem:$0x7780] =	vst v63  }
0x23: {  	_ =	swait.ge [sflag:s15], $0x2800  }
0x24: {  	[sflag:s15] =	ssyncset.done $0x0  }
0x25: {  	[sflag:s15] =	ssyncadd.s32 $0xFFFFD800  }
0x26: {  	[hbm4b:s8+s28] =	stream.linear.scatter [tilespmem:s14], [sflag:$0x4], $0x2800, $0x38;
	[tilespmem:$0x7780] =	vst v63  }
0x27: {  	_ =	swait.ge [sflag:s16], $0x2800  }
0x28: {  	[sflag:s16] =	ssyncset.done $0x0  }
0x29: {  	s29 =	simm.s32 $0xA0;
	[sflag:s16] =	ssyncadd.s32 $0xFFFFD800  }
0x2a: {  	[tilespmem:s12], [sflag:$0x1] =	stream.indirect.gather [hbm4b:s3+s11], $0x80, s29, s11, $0xb8;
	[tilespmem:$0x7780] =	vst v63  }
0x2b: {  	_ =	swait.ge [sflag:s13], $0x2800  }
0x2c: {  	s21 =	sadd.s32 $0x0, s9;
	[sflag:s13] =	ssyncset.done $0x0  }
0x2d: {  	s30 =	sadd.s32 $0xA00, s21;
	[sflag:s13] =	ssyncadd.s32 $0xFFFFD800  }
0x2e: {  	[hbm4b:s30+s2] =	stream.linear.scatter [tilespmem:s12], [sflag:$0x3], $0x2800, $0x38;
	[tilespmem:$0x7780] =	vst v63  }
0x2f: {  	_ =	swait.ge [sflag:s17], $0x2800  }
0x30: {  	[sflag:s17] =	ssyncset.done $0x0  }
0x31: {  	s31 =	simm.s32 $0xF0;
	[sflag:s17] =	ssyncadd.s32 $0xFFFFD800  }
0x32: {  	[tilespmem:s14], [sflag:$0x2] =	stream.indirect.gather [hbm4b:s3+s11], $0x80, s31, s11, $0xb8;
	[tilespmem:$0x7780] =	vst v63  }
0x33: {  	_ =	swait.ge [sflag:s15], $0x2800  }
0x34: {  	s22 =	sadd.s32 $0xF00, s21;
	[sflag:s15] =	ssyncset.done $0x0  }
0x35: {  	s21 =	simm.s32 $0x190;
	s20 =	simm.s32 $0xA00;
	[sflag:s15] =	ssyncadd.s32 $0xFFFFD800  }
.LBB2_4:
0x36: {  	[hbm4b:s22+s2] =	stream.linear.scatter [tilespmem:s14], [sflag:$0x4], $0x2800, $0x38;
	[tilespmem:$0x7780] =	vst v63  }
0x37: {  	s22 =	smov.u32 s20  }
0x38: {  	p0 =	sne.s32 s20, $0x25800;
	s20 =	sadd.s32 $0xA00, s20;
	_ =	swait.ge [sflag:s16], $0x2800  }
0x39: {  	[sflag:s16] =	ssyncset.done $0x0  }
0x3a: {  	s23 =	sadd.s32 $0xFFFFFFB0, s21;
	[sflag:s16] =	ssyncadd.s32 $0xFFFFD800  }
0x3b: {  	[tilespmem:s12], [sflag:$0x1] =	stream.indirect.gather [hbm4b:s3+s11], $0x80, s23, s11, $0xb8;
	[tilespmem:$0x7780] =	vst v63  }
0x3c: {  	_ =	swait.ge [sflag:s13], $0x2800  }
0x3d: {  	s22 =	sadd.s32 s22, s9;
	[sflag:s13] =	ssyncset.done $0x0  }
0x3e: {  	s23 =	sadd.s32 $0xA00, s22;
	[sflag:s13] =	ssyncadd.s32 $0xFFFFD800  }
0x3f: {  	[hbm4b:s23+s2] =	stream.linear.scatter [tilespmem:s12], [sflag:$0x3], $0x2800, $0x38;
	[tilespmem:$0x7780] =	vst v63  }
0x40: {  	_ =	swait.ge [sflag:s17], $0x2800  }
0x41: {  	[sflag:s17] =	ssyncset.done $0x0  }
.Ltmp1:
0x42: {  	[sflag:s17] =	ssyncadd.s32 $0xFFFFD800;
	(pc) =	sbr.rel @p0 .LBB2_4-.Ltmp1, $4  }
0x43: {  	[tilespmem:s14], [sflag:$0x2] =	stream.indirect.gather [hbm4b:s3+s11], $0x80, s21, s11, $0xb8;
	[tilespmem:$0x7780] =	vst v63  }
0x44: {  	_ =	swait.ge [sflag:s15], $0x2800  }
0x45: {  	[sflag:s15] =	ssyncset.done $0x0  }
0x46: {  	s22 =	sadd.s32 $0xF00, s22;
	s21 =	sadd.s32 $0xA0, s21;
	[sflag:s15] =	ssyncadd.s32 $0xFFFFD800  }
0x47: {  	[hbm4b:s22+s2] =	stream.linear.scatter [tilespmem:s14], [sflag:$0x4], $0x2800, $0x38;
	[tilespmem:$0x7780] =	vst v63  }
0x48: {  	_ =	swait.ge [sflag:s16], $0x2800  }
0x49: {  	[sflag:s16] =	ssyncset.done $0x0  }
0x4a: {  	[sflag:s16] =	ssyncadd.s32 $0xFFFFD800  }
0x4b: {  	[tilespmem:s12], [sflag:$0x1] =	stream.indirect.gather [hbm4b:s3+s11], $0x80, s18, s11, $0xb8;
	[tilespmem:$0x7780] =	vst v63  }
0x4c: {  	_ =	swait.ge [sflag:s13], $0x2800  }
0x4d: {  	[sflag:s13] =	ssyncset.done $0x0  }
0x4e: {  	s19 =	sadd.s32 $0x1, s19;
	[sflag:s13] =	ssyncadd.s32 $0xFFFFD800  }
0x4f: {  	[hbm4b:s5+s2] =	stream.linear.scatter [tilespmem:s12], [sflag:$0x3], $0x2800, $0x38;
	[tilespmem:$0x7780] =	vst v63  }
0x50: {  	p0 =	sne.s32 s19, s6;
	_ =	swait.ge [sflag:s17], $0x2800  }
.Ltmp2:
0x51: {  	[sflag:s17] =	ssyncset.done $0x0;
	(pc) =	sbr.rel @p0 .LBB2_1-.Ltmp2, $4  }
0x52: {  	[sflag:s17] =	ssyncadd.s32 $0xFFFFD800  }
0x53: {  	_ =	swait.ge [sflag:s16], $0x2800  }
0x54: {  	[sflag:s16] =	ssyncset.done $0x0  }
0x55: {  	[sflag:s16] =	ssyncadd.s32 $0xFFFFD800  }
0x56: {  	_ =	sfence.sel $0x180000  }
0x57: {  	[bflag:$0x0] =	sbarrier.arrive $0xFFFF  }
0x58: {  	p0 =	sne.s32 s0, $0x0;
	_ =	strace $0x90000047  }
0x59: {  	s0 =	sadd.s32 @!p0 $0x100000, s1;
	[bflag:$0x2] =	sbarrier.arrive $0xFFFF  }
0x5a: {  	[sflag:s0] =	ssyncadd.tile.s32 @!p0 $0x1;
	_ =	shalt  }
.Lfunc_end2:
_tile_overlayer_lowered:
.L_overlay_start_2:
0x5b: {  	(tag) =	ssettag $0x2  }
0x5c: {  	s0 =	rddreg [dreg:$0x0];
	s2 =	stileid.u32  }
0x5d: {  	s1 =	rddreg [dreg:$0x1];
	p0 =	sne.s32 s2, $0x0  }
0x5e: {  	s3 =	rddreg [dreg:$0x2];
	[bflag:$0x3] =	sbarrier.arrive $0xFFFF;
	s2 =	simm.s32 @!p0 $0x1C05  }
0x5f: {  	[timem:s3], [sflag:s2] =	dma.local @!p0 [hbm:s0], s1  }
0x60: {  	s0 =	simm.s32 @!p0 $0x5  }
0x61: {  	_ =	swait.ge @!p0 [sflag:s0], s1  }
0x62: {  	s1 =	ssub.s32 @!p0 $0x0, s1;
	[sflag:s0] =	ssyncset.done @!p0 $0x0  }
0x63: {  	[sflag:s0] =	ssyncadd.s32 @!p0 s1  }
0x64: {  	[bflag:$0x3] =	sbarrier.arrive $0xFFFF  }
0x65: {  	_ =	shalt  }

</sc_bundles>
